<compile_context>
chip_gen: v7x
topology: tpu7x:2x2x1
jax: 0.10.2.dev20260603
libtpu: 0.0.44.dev20260713+nightly
codegen_flags: <defaults>
</compile_context>

<pallas_src>
import functools

import jax
import jax.numpy as jnp
from jax import lax
from jax.experimental import pallas as pl
from jax.experimental.pallas import tpu as pltpu
from jax.experimental.pallas import tpu_sc as plsc

NC = 2
NS = 16
NW = NC * NS
ST_R = 32
CA = 128
NSLOT = 4


@functools.lru_cache(maxsize=None)
def _make_sc_embed(n: int, m: int, v: int, d: int):
    cb = m - CA
    assert 0 < cb <= 128 and cb % 8 == 0 and m % 8 == 0
    rows_per_w = n // NW
    n_stages = rows_per_w // ST_R
    groups_per_stage = ST_R // NSLOT
    assert n == rows_per_w * NW
    assert rows_per_w == n_stages * ST_R and n_stages % 2 == 0
    assert ST_R == groups_per_stage * NSLOT

    mesh = plsc.VectorSubcoreMesh(core_axis_name="c", subcore_axis_name="s")

    @functools.partial(
        pl.kernel,
        mesh=mesh,
        out_type=jax.ShapeDtypeStruct((n * m, d), jnp.float32),
        scratch_types=(
            [pltpu.VMEM((ST_R, m), jnp.int32) for _ in range(2)]
            + [pltpu.VMEM_SHARED((v, d), jnp.float32)]
            + [pltpu.VMEM((m, d), jnp.float32) for _ in range(NSLOT)]
            + [pltpu.SemaphoreType.DMA for _ in range(2 * NSLOT + 2)]
        ),
    )
    def sc_embed(x_hbm, w_hbm, out_hbm, idx0, idx1, w_v, *bufs_and_sems):
        idx_bufs = (idx0, idx1)
        rows = bufs_and_sems[:NSLOT]
        gsems = bufs_and_sems[NSLOT : 2 * NSLOT]
        wsems = bufs_and_sems[2 * NSLOT : 3 * NSLOT]
        isems = bufs_and_sems[3 * NSLOT : 3 * NSLOT + 2]
        cid = lax.axis_index("c")
        sid = lax.axis_index("s")
        wid = sid * NC + cid
        xr0 = wid * rows_per_w

        @pl.when(sid == 0)
        def _stage_table():
            pltpu.sync_copy(w_hbm, w_v)

        plsc.subcore_barrier()

        def idx_fetch(st, slot):
            pltpu.make_async_copy(
                x_hbm.at[pl.ds(xr0 + st * ST_R, ST_R)],
                idx_bufs[slot],
                isems[slot],
            ).start()

        def process_stage(st, slot):
            idx_v = idx_bufs[slot]
            pltpu.make_async_copy(
                x_hbm.at[pl.ds(xr0, ST_R)], idx_v, isems[slot]
            ).wait()
            srow = xr0 + st * ST_R

            def group_body(g, carry):
                gathers = []
                for p in range(NSLOT):
                    lr = g * NSLOT + p

                    @pl.when(st * groups_per_stage + g >= 1)
                    def _wait_prev_write():
                        pltpu.make_async_copy(
                            rows[p], out_hbm.at[pl.ds(0, m)], wsems[p]
                        ).wait()

                    ca = pltpu.make_async_copy(
                        w_v.at[idx_v.at[lr, pl.ds(0, CA)]],
                        rows[p].at[pl.ds(0, CA)],
                        gsems[p],
                    )
                    ca.start()
                    cbp = pltpu.make_async_copy(
                        w_v.at[idx_v.at[lr, pl.ds(CA, cb)]],
                        rows[p].at[pl.ds(CA, cb)],
                        gsems[p],
                    )
                    cbp.start()
                    gathers.append((ca, cbp))
                for p in range(NSLOT):
                    lr = g * NSLOT + p
                    ca, cbp = gathers[p]
                    ca.wait()
                    cbp.wait()
                    pltpu.make_async_copy(
                        rows[p],
                        out_hbm.at[pl.ds((srow + lr) * m, m)],
                        wsems[p],
                    ).start()
                return carry

            lax.fori_loop(0, groups_per_stage, group_body, 0)
            @pl.when(st + 2 < n_stages)
            def _prefetch_next():
                idx_fetch(st + 2, slot)

        idx_fetch(0, 0)
        if n_stages > 1:
            idx_fetch(1, 1)

        def super_body(ss, carry):
            process_stage(2 * ss, 0)
            process_stage(2 * ss + 1, 1)
            return carry

        lax.fori_loop(0, n_stages // 2, super_body, 0)
        for p in range(NSLOT):
            pltpu.make_async_copy(
                rows[p], out_hbm.at[pl.ds(0, m)], wsems[p]
            ).wait()

    return sc_embed


def kernel(x, weight):
    n, m = x.shape
    v, d = weight.shape
    out = _make_sc_embed(n, m, v, d)(x.astype(jnp.int32), weight)
    return out.reshape(n, m, d)

# --- scband reference (transcript-rebuilt; emitter-appended) ---
"""Pipeline reference for scband-embed-53704271069783 (READ-ONLY COPY).

The authoritative reference and input builder live on the scoring server;
editing this copy changes nothing except your own understanding.
"""

import jax, jax.numpy as jnp
import numpy as np

EMBED_DIM = 128
NUM_EMB = 5

def setup_inputs(seed: int = 0) -> dict:
    key = jax.random.key(seed)
    k1, k2 = jax.random.split(key)
    x = jax.random.randint(k1, (16384, 200), 0, NUM_EMB, dtype=jnp.int64) if jax.config.jax_enable_x64 else jax.random.randint(k1, (16384, 200), 0, NUM_EMB, dtype=jnp.int32)
    # xavier_uniform init for embedding weight [NUM_EMB, EMBED_DIM]
    bound = float(np.sqrt(6.0 / (NUM_EMB + EMBED_DIM)))
    weight = jax.random.uniform(k2, (NUM_EMB, EMBED_DIM), minval=-bound, maxval=bound, dtype=jnp.float32)
    return {"x": x, "weight": weight}

def reference(x, weight):
    x_int = x.astype(jnp.int32)
    out = jnp.take(weight, x_int, axis=0)
    return out

if __name__ == "__main__":
    import jax
    _d = setup_inputs()
    print(jax.jit(kernel)(*tuple(_d.values())))

</pallas_src>

<mosaic_0001>
#map = affine_map<(d0, d1) -> (0, 0)>
module attributes {stable_mosaic.version = 14 : i64} {
  func.func @sc_embed(%arg0: i32, %arg1: i32, %arg2: memref<16384x200xi32, #tpu.memory_space<hbm>>, %arg3: memref<5x128xf32, #tpu.memory_space<hbm>>, %arg4: memref<3276800x128xf32, #tpu.memory_space<hbm>>, %arg5: memref<32x200xi32, #tpu.memory_space<vmem>>, %arg6: memref<32x200xi32, #tpu.memory_space<vmem>>, %arg7: memref<5x128xf32, #tpu.memory_space<vmem_shared>>, %arg8: memref<200x128xf32, #tpu.memory_space<vmem>>, %arg9: memref<200x128xf32, #tpu.memory_space<vmem>>, %arg10: memref<200x128xf32, #tpu.memory_space<vmem>>, %arg11: memref<200x128xf32, #tpu.memory_space<vmem>>, %arg12: memref<!tpu.dma_semaphore, #tpu.memory_space<semaphore_mem>>, %arg13: memref<!tpu.dma_semaphore, #tpu.memory_space<semaphore_mem>>, %arg14: memref<!tpu.dma_semaphore, #tpu.memory_space<semaphore_mem>>, %arg15: memref<!tpu.dma_semaphore, #tpu.memory_space<semaphore_mem>>, %arg16: memref<!tpu.dma_semaphore, #tpu.memory_space<semaphore_mem>>, %arg17: memref<!tpu.dma_semaphore, #tpu.memory_space<semaphore_mem>>, %arg18: memref<!tpu.dma_semaphore, #tpu.memory_space<semaphore_mem>>, %arg19: memref<!tpu.dma_semaphore, #tpu.memory_space<semaphore_mem>>, %arg20: memref<!tpu.dma_semaphore, #tpu.memory_space<semaphore_mem>>, %arg21: memref<!tpu.dma_semaphore, #tpu.memory_space<semaphore_mem>>) attributes {dimension_semantics = [#tpu.dimension_semantics<core_parallel>, #tpu.dimension_semantics<subcore_parallel>], iteration_bounds = array<i64: 2, 16>, scalar_prefetch = 0 : i64, scratch_operands = 17 : i64, tpu.core_type = #tpu.core_type<sc_vector_subcore>, window_params = [{transform_indices = #map}, {transform_indices = #map}, {transform_indices = #map}]} {
    %mul3A = arith.constant 2 : i32
    %mul3A_0 = arith.muli %arg1, %mul3A : i32
    %add3A = arith.addi %mul3A_0, %arg0 : i32
    %mul3A_1 = arith.constant 512 : i32
    %mul3A_2 = arith.muli %add3A, %mul3A_1 : i32
    %eq3A = arith.constant 0 : i32
    %eq3A_3 = arith.cmpi eq, %arg1, %eq3A : i32
    %convert_element_type3A = arith.extui %eq3A_3 : i1 to i32
    %cond3A = arith.constant 0 : i32
    %cond3A_4 = arith.cmpi ne, %convert_element_type3A, %cond3A : i32
    scf.if %cond3A_4 {
      "tpu.region"() ({
        %run_scoped3A = tpu.sem_alloc : memref<!tpu.dma_semaphore, #tpu.memory_space<semaphore_mem>>
        tpu.enqueue_dma source(%arg3 : memref<5x128xf32, #tpu.memory_space<hbm>>) target(%arg7 : memref<5x128xf32, #tpu.memory_space<vmem_shared>>) target_semaphore(%run_scoped3A : memref<!tpu.dma_semaphore, #tpu.memory_space<semaphore_mem>>)
        tpu.wait_dma2 semaphore(%run_scoped3A : memref<!tpu.dma_semaphore, #tpu.memory_space<semaphore_mem>>) src(%arg3 : memref<5x128xf32, #tpu.memory_space<hbm>>) dst(%arg7 : memref<5x128xf32, #tpu.memory_space<vmem_shared>>)
        tpu.yield
      }) : () -> ()
    } else {
    }
    %barrier3A = arith.constant 0 : index
    tpu.barrier barrier_id(%barrier3A)
    %add3A_5 = arith.constant 0 : i32
    %add3A_6 = arith.addi %mul3A_2, %add3A_5 : i32
    %dma_start3A = arith.constant 0 : i32
    %dma_start3A_7 = tpu.memref_slice %arg2[%add3A_6, %dma_start3A] : memref<16384x200xi32, #tpu.memory_space<hbm>> -> memref<32x200xi32, #tpu.memory_space<hbm>>
    %dma_start3A_8 = arith.constant 0 : i32
    %dma_start3A_9 = tpu.memref_slice %arg2[%add3A_6, %dma_start3A_8] : memref<16384x200xi32, #tpu.memory_space<hbm>> -> memref<32x200xi32, #tpu.memory_space<hbm>>
    tpu.enqueue_dma source(%dma_start3A_9 : memref<32x200xi32, #tpu.memory_space<hbm>>) target(%arg5 : memref<32x200xi32, #tpu.memory_space<vmem>>) target_semaphore(%arg20 : memref<!tpu.dma_semaphore, #tpu.memory_space<semaphore_mem>>)
    %add3A_10 = arith.constant 32 : i32
    %add3A_11 = arith.addi %mul3A_2, %add3A_10 : i32
    %dma_start3A_12 = arith.constant 0 : i32
    %dma_start3A_13 = tpu.memref_slice %arg2[%add3A_11, %dma_start3A_12] : memref<16384x200xi32, #tpu.memory_space<hbm>> -> memref<32x200xi32, #tpu.memory_space<hbm>>
    %dma_start3A_14 = arith.constant 0 : i32
    %dma_start3A_15 = tpu.memref_slice %arg2[%add3A_11, %dma_start3A_14] : memref<16384x200xi32, #tpu.memory_space<hbm>> -> memref<32x200xi32, #tpu.memory_space<hbm>>
    tpu.enqueue_dma source(%dma_start3A_15 : memref<32x200xi32, #tpu.memory_space<hbm>>) target(%arg6 : memref<32x200xi32, #tpu.memory_space<vmem>>) target_semaphore(%arg21 : memref<!tpu.dma_semaphore, #tpu.memory_space<semaphore_mem>>)
    %scan3A = arith.constant 0 : i32
    %scan3A_16 = arith.constant 0 : i32
    %scan3A_17 = arith.constant 8 : i32
    %scan3A_18 = arith.addi %scan3A_16, %scan3A_17 : i32
    %scan3A_19 = arith.constant 1 : i32
    scf.for %scan3A_44 = %scan3A_16 to %scan3A_18 step %scan3A_19  : i32 {
      %mul3A_45 = arith.constant 2 : i32
      %mul3A_46 = arith.muli %mul3A_45, %scan3A_44 : i32
      %dma_wait3A_47 = arith.constant 0 : i32
      %dma_wait3A_48 = tpu.memref_slice %arg2[%mul3A_2, %dma_wait3A_47] : memref<16384x200xi32, #tpu.memory_space<hbm>> -> memref<32x200xi32, #tpu.memory_space<hbm>>
      %dma_wait3A_49 = arith.constant 0 : i32
      %dma_wait3A_50 = tpu.memref_slice %arg2[%mul3A_2, %dma_wait3A_49] : memref<16384x200xi32, #tpu.memory_space<hbm>> -> memref<32x200xi32, #tpu.memory_space<hbm>>
      tpu.wait_dma2 semaphore(%arg20 : memref<!tpu.dma_semaphore, #tpu.memory_space<semaphore_mem>>) src(%dma_wait3A_50 : memref<32x200xi32, #tpu.memory_space<hbm>>) dst(%arg5 : memref<32x200xi32, #tpu.memory_space<vmem>>)
      %mul3A_51 = arith.constant 32 : i32
      %mul3A_52 = arith.muli %mul3A_46, %mul3A_51 : i32
      %add3A_53 = arith.addi %mul3A_2, %mul3A_52 : i32
      %scan3A_54 = arith.constant 0 : i32
      %scan3A_55 = arith.constant 0 : i32
      %scan3A_56 = arith.constant 8 : i32
      %scan3A_57 = arith.addi %scan3A_55, %scan3A_56 : i32
      %scan3A_58 = arith.constant 1 : i32
      scf.for %scan3A_90 = %scan3A_55 to %scan3A_57 step %scan3A_58  : i32 {
        %mul3A_91 = arith.constant 4 : i32
        %mul3A_92 = arith.muli %scan3A_90, %mul3A_91 : i32
        %add3A_93 = arith.constant 0 : i32
        %add3A_94 = arith.addi %mul3A_92, %add3A_93 : i32
        %mul3A_95 = arith.constant 8 : i32
        %mul3A_96 = arith.muli %mul3A_46, %mul3A_95 : i32
        %add3A_97 = arith.addi %mul3A_96, %scan3A_90 : i32
        %ge3A = arith.constant 1 : i32
        %ge3A_98 = arith.cmpi sge, %add3A_97, %ge3A : i32
        %convert_element_type3A_99 = arith.extui %ge3A_98 : i1 to i32
        %cond3A_100 = arith.constant 0 : i32
        %cond3A_101 = arith.cmpi ne, %convert_element_type3A_99, %cond3A_100 : i32
        scf.if %cond3A_101 {
          %dma_wait3A_326 = arith.constant 0 : i32
          %dma_wait3A_327 = arith.constant 0 : i32
          %dma_wait3A_328 = tpu.memref_slice %arg4[%dma_wait3A_326, %dma_wait3A_327] : memref<3276800x128xf32, #tpu.memory_space<hbm>> -> memref<200x128xf32, #tpu.memory_space<hbm>>
          %dma_wait3A_329 = arith.constant 0 : i32
          %dma_wait3A_330 = arith.constant 0 : i32
          %dma_wait3A_331 = tpu.memref_slice %arg4[%dma_wait3A_329, %dma_wait3A_330] : memref<3276800x128xf32, #tpu.memory_space<hbm>> -> memref<200x128xf32, #tpu.memory_space<hbm>>
          tpu.wait_dma2 semaphore(%arg16 : memref<!tpu.dma_semaphore, #tpu.memory_space<semaphore_mem>>) src(%arg8 : memref<200x128xf32, #tpu.memory_space<vmem>>) dst(%dma_wait3A_331 : memref<200x128xf32, #tpu.memory_space<hbm>>)
        } else {
        }
        %dma_start3A_102 = arith.constant 0 : i32
        %dma_start3A_103 = arith.constant 0 : i32
        %dma_start3A_104 = tpu.memref_slice %arg8[%dma_start3A_102, %dma_start3A_103] : memref<200x128xf32, #tpu.memory_space<vmem>> -> memref<128x128xf32, #tpu.memory_space<vmem>>
        %dma_start3A_105 = arith.constant 0 : i32
        %dma_start3A_106 = tpu.memref_slice %arg5[%add3A_94, %dma_start3A_105] : memref<32x200xi32, #tpu.memory_space<vmem>> -> memref<1x128xi32, #tpu.memory_space<vmem>>
        %dma_start3A_107 = tpu.memref_squeeze %dma_start3A_106 : memref<1x128xi32, #tpu.memory_space<vmem>> -> memref<128xi32, #tpu.memory_space<vmem>>
        %dma_start3A_108 = arith.constant 0 : i32
        %dma_start3A_109 = arith.constant 0 : i32
        %dma_start3A_110 = tpu.memref_slice %arg7[%dma_start3A_108, %dma_start3A_109] : memref<5x128xf32, #tpu.memory_space<vmem_shared>> -> memref<5x128xf32, #tpu.memory_space<vmem_shared>>
        tpu.enqueue_indirect_dma source(%dma_start3A_110 : memref<5x128xf32, #tpu.memory_space<vmem_shared>>) target(%dma_start3A_104 : memref<128x128xf32, #tpu.memory_space<vmem>>) offsets(%dma_start3A_107 : memref<128xi32, #tpu.memory_space<vmem>>) semaphore(%arg12 : memref<!tpu.dma_semaphore, #tpu.memory_space<semaphore_mem>>)
        %dma_start3A_111 = arith.constant 128 : i32
        %dma_start3A_112 = arith.constant 0 : i32
        %dma_start3A_113 = tpu.memref_slice %arg8[%dma_start3A_111, %dma_start3A_112] : memref<200x128xf32, #tpu.memory_space<vmem>> -> memref<72x128xf32, #tpu.memory_space<vmem>>
        %dma_start3A_114 = arith.constant 128 : i32
        %dma_start3A_115 = tpu.memref_slice %arg5[%add3A_94, %dma_start3A_114] : memref<32x200xi32, #tpu.memory_space<vmem>> -> memref<1x72xi32, #tpu.memory_space<vmem>>
        %dma_start3A_116 = tpu.memref_squeeze %dma_start3A_115 : memref<1x72xi32, #tpu.memory_space<vmem>> -> memref<72xi32, #tpu.memory_space<vmem>>
        %dma_start3A_117 = arith.constant 0 : i32
        %dma_start3A_118 = arith.constant 0 : i32
        %dma_start3A_119 = tpu.memref_slice %arg7[%dma_start3A_117, %dma_start3A_118] : memref<5x128xf32, #tpu.memory_space<vmem_shared>> -> memref<5x128xf32, #tpu.memory_space<vmem_shared>>
        tpu.enqueue_indirect_dma source(%dma_start3A_119 : memref<5x128xf32, #tpu.memory_space<vmem_shared>>) target(%dma_start3A_113 : memref<72x128xf32, #tpu.memory_space<vmem>>) offsets(%dma_start3A_116 : memref<72xi32, #tpu.memory_space<vmem>>) semaphore(%arg12 : memref<!tpu.dma_semaphore, #tpu.memory_space<semaphore_mem>>)
        %mul3A_120 = arith.constant 4 : i32
        %mul3A_121 = arith.muli %scan3A_90, %mul3A_120 : i32
        %add3A_122 = arith.constant 1 : i32
        %add3A_123 = arith.addi %mul3A_121, %add3A_122 : i32
        %mul3A_124 = arith.constant 8 : i32
        %mul3A_125 = arith.muli %mul3A_46, %mul3A_124 : i32
        %add3A_126 = arith.addi %mul3A_125, %scan3A_90 : i32
        %ge3A_127 = arith.constant 1 : i32
        %ge3A_128 = arith.cmpi sge, %add3A_126, %ge3A_127 : i32
        %convert_element_type3A_129 = arith.extui %ge3A_128 : i1 to i32
        %cond3A_130 = arith.constant 0 : i32
        %cond3A_131 = arith.cmpi ne, %convert_element_type3A_129, %cond3A_130 : i32
        scf.if %cond3A_131 {
          %dma_wait3A_326 = arith.constant 0 : i32
          %dma_wait3A_327 = arith.constant 0 : i32
          %dma_wait3A_328 = tpu.memref_slice %arg4[%dma_wait3A_326, %dma_wait3A_327] : memref<3276800x128xf32, #tpu.memory_space<hbm>> -> memref<200x128xf32, #tpu.memory_space<hbm>>
          %dma_wait3A_329 = arith.constant 0 : i32
          %dma_wait3A_330 = arith.constant 0 : i32
          %dma_wait3A_331 = tpu.memref_slice %arg4[%dma_wait3A_329, %dma_wait3A_330] : memref<3276800x128xf32, #tpu.memory_space<hbm>> -> memref<200x128xf32, #tpu.memory_space<hbm>>
          tpu.wait_dma2 semaphore(%arg17 : memref<!tpu.dma_semaphore, #tpu.memory_space<semaphore_mem>>) src(%arg9 : memref<200x128xf32, #tpu.memory_space<vmem>>) dst(%dma_wait3A_331 : memref<200x128xf32, #tpu.memory_space<hbm>>)
        } else {
        }
        %dma_start3A_132 = arith.constant 0 : i32
        %dma_start3A_133 = arith.constant 0 : i32
        %dma_start3A_134 = tpu.memref_slice %arg9[%dma_start3A_132, %dma_start3A_133] : memref<200x128xf32, #tpu.memory_space<vmem>> -> memref<128x128xf32, #tpu.memory_space<vmem>>
        %dma_start3A_135 = arith.constant 0 : i32
        %dma_start3A_136 = tpu.memref_slice %arg5[%add3A_123, %dma_start3A_135] : memref<32x200xi32, #tpu.memory_space<vmem>> -> memref<1x128xi32, #tpu.memory_space<vmem>>
        %dma_start3A_137 = tpu.memref_squeeze %dma_start3A_136 : memref<1x128xi32, #tpu.memory_space<vmem>> -> memref<128xi32, #tpu.memory_space<vmem>>
        %dma_start3A_138 = arith.constant 0 : i32
        %dma_start3A_139 = arith.constant 0 : i32
        %dma_start3A_140 = tpu.memref_slice %arg7[%dma_start3A_138, %dma_start3A_139] : memref<5x128xf32, #tpu.memory_space<vmem_shared>> -> memref<5x128xf32, #tpu.memory_space<vmem_shared>>
        tpu.enqueue_indirect_dma source(%dma_start3A_140 : memref<5x128xf32, #tpu.memory_space<vmem_shared>>) target(%dma_start3A_134 : memref<128x128xf32, #tpu.memory_space<vmem>>) offsets(%dma_start3A_137 : memref<128xi32, #tpu.memory_space<vmem>>) semaphore(%arg13 : memref<!tpu.dma_semaphore, #tpu.memory_space<semaphore_mem>>)
        %dma_start3A_141 = arith.constant 128 : i32
        %dma_start3A_142 = arith.constant 0 : i32
        %dma_start3A_143 = tpu.memref_slice %arg9[%dma_start3A_141, %dma_start3A_142] : memref<200x128xf32, #tpu.memory_space<vmem>> -> memref<72x128xf32, #tpu.memory_space<vmem>>
        %dma_start3A_144 = arith.constant 128 : i32
        %dma_start3A_145 = tpu.memref_slice %arg5[%add3A_123, %dma_start3A_144] : memref<32x200xi32, #tpu.memory_space<vmem>> -> memref<1x72xi32, #tpu.memory_space<vmem>>
        %dma_start3A_146 = tpu.memref_squeeze %dma_start3A_145 : memref<1x72xi32, #tpu.memory_space<vmem>> -> memref<72xi32, #tpu.memory_space<vmem>>
        %dma_start3A_147 = arith.constant 0 : i32
        %dma_start3A_148 = arith.constant 0 : i32
        %dma_start3A_149 = tpu.memref_slice %arg7[%dma_start3A_147, %dma_start3A_148] : memref<5x128xf32, #tpu.memory_space<vmem_shared>> -> memref<5x128xf32, #tpu.memory_space<vmem_shared>>
        tpu.enqueue_indirect_dma source(%dma_start3A_149 : memref<5x128xf32, #tpu.memory_space<vmem_shared>>) target(%dma_start3A_143 : memref<72x128xf32, #tpu.memory_space<vmem>>) offsets(%dma_start3A_146 : memref<72xi32, #tpu.memory_space<vmem>>) semaphore(%arg13 : memref<!tpu.dma_semaphore, #tpu.memory_space<semaphore_mem>>)
        %mul3A_150 = arith.constant 4 : i32
        %mul3A_151 = arith.muli %scan3A_90, %mul3A_150 : i32
        %add3A_152 = arith.constant 2 : i32
        %add3A_153 = arith.addi %mul3A_151, %add3A_152 : i32
        %mul3A_154 = arith.constant 8 : i32
        %mul3A_155 = arith.muli %mul3A_46, %mul3A_154 : i32
        %add3A_156 = arith.addi %mul3A_155, %scan3A_90 : i32
        %ge3A_157 = arith.constant 1 : i32
        %ge3A_158 = arith.cmpi sge, %add3A_156, %ge3A_157 : i32
        %convert_element_type3A_159 = arith.extui %ge3A_158 : i1 to i32
        %cond3A_160 = arith.constant 0 : i32
        %cond3A_161 = arith.cmpi ne, %convert_element_type3A_159, %cond3A_160 : i32
        scf.if %cond3A_161 {
          %dma_wait3A_326 = arith.constant 0 : i32
          %dma_wait3A_327 = arith.constant 0 : i32
          %dma_wait3A_328 = tpu.memref_slice %arg4[%dma_wait3A_326, %dma_wait3A_327] : memref<3276800x128xf32, #tpu.memory_space<hbm>> -> memref<200x128xf32, #tpu.memory_space<hbm>>
          %dma_wait3A_329 = arith.constant 0 : i32
          %dma_wait3A_330 = arith.constant 0 : i32
          %dma_wait3A_331 = tpu.memref_slice %arg4[%dma_wait3A_329, %dma_wait3A_330] : memref<3276800x128xf32, #tpu.memory_space<hbm>> -> memref<200x128xf32, #tpu.memory_space<hbm>>
          tpu.wait_dma2 semaphore(%arg18 : memref<!tpu.dma_semaphore, #tpu.memory_space<semaphore_mem>>) src(%arg10 : memref<200x128xf32, #tpu.memory_space<vmem>>) dst(%dma_wait3A_331 : memref<200x128xf32, #tpu.memory_space<hbm>>)
        } else {
        }
        %dma_start3A_162 = arith.constant 0 : i32
        %dma_start3A_163 = arith.constant 0 : i32
        %dma_start3A_164 = tpu.memref_slice %arg10[%dma_start3A_162, %dma_start3A_163] : memref<200x128xf32, #tpu.memory_space<vmem>> -> memref<128x128xf32, #tpu.memory_space<vmem>>
        %dma_start3A_165 = arith.constant 0 : i32
        %dma_start3A_166 = tpu.memref_slice %arg5[%add3A_153, %dma_start3A_165] : memref<32x200xi32, #tpu.memory_space<vmem>> -> memref<1x128xi32, #tpu.memory_space<vmem>>
        %dma_start3A_167 = tpu.memref_squeeze %dma_start3A_166 : memref<1x128xi32, #tpu.memory_space<vmem>> -> memref<128xi32, #tpu.memory_space<vmem>>
        %dma_start3A_168 = arith.constant 0 : i32
        %dma_start3A_169 = arith.constant 0 : i32
        %dma_start3A_170 = tpu.memref_slice %arg7[%dma_start3A_168, %dma_start3A_169] : memref<5x128xf32, #tpu.memory_space<vmem_shared>> -> memref<5x128xf32, #tpu.memory_space<vmem_shared>>
        tpu.enqueue_indirect_dma source(%dma_start3A_170 : memref<5x128xf32, #tpu.memory_space<vmem_shared>>) target(%dma_start3A_164 : memref<128x128xf32, #tpu.memory_space<vmem>>) offsets(%dma_start3A_167 : memref<128xi32, #tpu.memory_space<vmem>>) semaphore(%arg14 : memref<!tpu.dma_semaphore, #tpu.memory_space<semaphore_mem>>)
        %dma_start3A_171 = arith.constant 128 : i32
        %dma_start3A_172 = arith.constant 0 : i32
        %dma_start3A_173 = tpu.memref_slice %arg10[%dma_start3A_171, %dma_start3A_172] : memref<200x128xf32, #tpu.memory_space<vmem>> -> memref<72x128xf32, #tpu.memory_space<vmem>>
        %dma_start3A_174 = arith.constant 128 : i32
        %dma_start3A_175 = tpu.memref_slice %arg5[%add3A_153, %dma_start3A_174] : memref<32x200xi32, #tpu.memory_space<vmem>> -> memref<1x72xi32, #tpu.memory_space<vmem>>
        %dma_start3A_176 = tpu.memref_squeeze %dma_start3A_175 : memref<1x72xi32, #tpu.memory_space<vmem>> -> memref<72xi32, #tpu.memory_space<vmem>>
        %dma_start3A_177 = arith.constant 0 : i32
        %dma_start3A_178 = arith.constant 0 : i32
        %dma_start3A_179 = tpu.memref_slice %arg7[%dma_start3A_177, %dma_start3A_178] : memref<5x128xf32, #tpu.memory_space<vmem_shared>> -> memref<5x128xf32, #tpu.memory_space<vmem_shared>>
        tpu.enqueue_indirect_dma source(%dma_start3A_179 : memref<5x128xf32, #tpu.memory_space<vmem_shared>>) target(%dma_start3A_173 : memref<72x128xf32, #tpu.memory_space<vmem>>) offsets(%dma_start3A_176 : memref<72xi32, #tpu.memory_space<vmem>>) semaphore(%arg14 : memref<!tpu.dma_semaphore, #tpu.memory_space<semaphore_mem>>)
        %mul3A_180 = arith.constant 4 : i32
        %mul3A_181 = arith.muli %scan3A_90, %mul3A_180 : i32
        %add3A_182 = arith.constant 3 : i32
        %add3A_183 = arith.addi %mul3A_181, %add3A_182 : i32
        %mul3A_184 = arith.constant 8 : i32
        %mul3A_185 = arith.muli %mul3A_46, %mul3A_184 : i32
        %add3A_186 = arith.addi %mul3A_185, %scan3A_90 : i32
        %ge3A_187 = arith.constant 1 : i32
        %ge3A_188 = arith.cmpi sge, %add3A_186, %ge3A_187 : i32
        %convert_element_type3A_189 = arith.extui %ge3A_188 : i1 to i32
        %cond3A_190 = arith.constant 0 : i32
        %cond3A_191 = arith.cmpi ne, %convert_element_type3A_189, %cond3A_190 : i32
        scf.if %cond3A_191 {
          %dma_wait3A_326 = arith.constant 0 : i32
          %dma_wait3A_327 = arith.constant 0 : i32
          %dma_wait3A_328 = tpu.memref_slice %arg4[%dma_wait3A_326, %dma_wait3A_327] : memref<3276800x128xf32, #tpu.memory_space<hbm>> -> memref<200x128xf32, #tpu.memory_space<hbm>>
          %dma_wait3A_329 = arith.constant 0 : i32
          %dma_wait3A_330 = arith.constant 0 : i32
          %dma_wait3A_331 = tpu.memref_slice %arg4[%dma_wait3A_329, %dma_wait3A_330] : memref<3276800x128xf32, #tpu.memory_space<hbm>> -> memref<200x128xf32, #tpu.memory_space<hbm>>
          tpu.wait_dma2 semaphore(%arg19 : memref<!tpu.dma_semaphore, #tpu.memory_space<semaphore_mem>>) src(%arg11 : memref<200x128xf32, #tpu.memory_space<vmem>>) dst(%dma_wait3A_331 : memref<200x128xf32, #tpu.memory_space<hbm>>)
        } else {
        }
        %dma_start3A_192 = arith.constant 0 : i32
        %dma_start3A_193 = arith.constant 0 : i32
        %dma_start3A_194 = tpu.memref_slice %arg11[%dma_start3A_192, %dma_start3A_193] : memref<200x128xf32, #tpu.memory_space<vmem>> -> memref<128x128xf32, #tpu.memory_space<vmem>>
        %dma_start3A_195 = arith.constant 0 : i32
        %dma_start3A_196 = tpu.memref_slice %arg5[%add3A_183, %dma_start3A_195] : memref<32x200xi32, #tpu.memory_space<vmem>> -> memref<1x128xi32, #tpu.memory_space<vmem>>
        %dma_start3A_197 = tpu.memref_squeeze %dma_start3A_196 : memref<1x128xi32, #tpu.memory_space<vmem>> -> memref<128xi32, #tpu.memory_space<vmem>>
        %dma_start3A_198 = arith.constant 0 : i32
        %dma_start3A_199 = arith.constant 0 : i32
        %dma_start3A_200 = tpu.memref_slice %arg7[%dma_start3A_198, %dma_start3A_199] : memref<5x128xf32, #tpu.memory_space<vmem_shared>> -> memref<5x128xf32, #tpu.memory_space<vmem_shared>>
        tpu.enqueue_indirect_dma source(%dma_start3A_200 : memref<5x128xf32, #tpu.memory_space<vmem_shared>>) target(%dma_start3A_194 : memref<128x128xf32, #tpu.memory_space<vmem>>) offsets(%dma_start3A_197 : memref<128xi32, #tpu.memory_space<vmem>>) semaphore(%arg15 : memref<!tpu.dma_semaphore, #tpu.memory_space<semaphore_mem>>)
        %dma_start3A_201 = arith.constant 128 : i32
        %dma_start3A_202 = arith.constant 0 : i32
        %dma_start3A_203 = tpu.memref_slice %arg11[%dma_start3A_201, %dma_start3A_202] : memref<200x128xf32, #tpu.memory_space<vmem>> -> memref<72x128xf32, #tpu.memory_space<vmem>>
        %dma_start3A_204 = arith.constant 128 : i32
        %dma_start3A_205 = tpu.memref_slice %arg5[%add3A_183, %dma_start3A_204] : memref<32x200xi32, #tpu.memory_space<vmem>> -> memref<1x72xi32, #tpu.memory_space<vmem>>
        %dma_start3A_206 = tpu.memref_squeeze %dma_start3A_205 : memref<1x72xi32, #tpu.memory_space<vmem>> -> memref<72xi32, #tpu.memory_space<vmem>>
        %dma_start3A_207 = arith.constant 0 : i32
        %dma_start3A_208 = arith.constant 0 : i32
        %dma_start3A_209 = tpu.memref_slice %arg7[%dma_start3A_207, %dma_start3A_208] : memref<5x128xf32, #tpu.memory_space<vmem_shared>> -> memref<5x128xf32, #tpu.memory_space<vmem_shared>>
        tpu.enqueue_indirect_dma source(%dma_start3A_209 : memref<5x128xf32, #tpu.memory_space<vmem_shared>>) target(%dma_start3A_203 : memref<72x128xf32, #tpu.memory_space<vmem>>) offsets(%dma_start3A_206 : memref<72xi32, #tpu.memory_space<vmem>>) semaphore(%arg15 : memref<!tpu.dma_semaphore, #tpu.memory_space<semaphore_mem>>)
        %mul3A_210 = arith.constant 4 : i32
        %mul3A_211 = arith.muli %scan3A_90, %mul3A_210 : i32
        %add3A_212 = arith.constant 0 : i32
        %add3A_213 = arith.addi %mul3A_211, %add3A_212 : i32
        %dma_wait3A_214 = arith.constant 0 : i32
        %dma_wait3A_215 = arith.constant 0 : i32
        %dma_wait3A_216 = tpu.memref_slice %arg8[%dma_wait3A_214, %dma_wait3A_215] : memref<200x128xf32, #tpu.memory_space<vmem>> -> memref<128x128xf32, #tpu.memory_space<vmem>>
        %dma_wait3A_217 = arith.constant 0 : i32
        %dma_wait3A_218 = tpu.memref_slice %arg5[%add3A_94, %dma_wait3A_217] : memref<32x200xi32, #tpu.memory_space<vmem>> -> memref<1x128xi32, #tpu.memory_space<vmem>>
        %dma_wait3A_219 = tpu.memref_squeeze %dma_wait3A_218 : memref<1x128xi32, #tpu.memory_space<vmem>> -> memref<128xi32, #tpu.memory_space<vmem>>
        %dma_wait3A_220 = arith.constant 0 : i32
        %dma_wait3A_221 = arith.constant 0 : i32
        %dma_wait3A_222 = tpu.memref_slice %arg7[%dma_wait3A_220, %dma_wait3A_221] : memref<5x128xf32, #tpu.memory_space<vmem_shared>> -> memref<5x128xf32, #tpu.memory_space<vmem_shared>>
        tpu.wait_indirect_dma semaphore(%arg12 : memref<!tpu.dma_semaphore, #tpu.memory_space<semaphore_mem>>) src(%dma_wait3A_222 : memref<5x128xf32, #tpu.memory_space<vmem_shared>>) dst(%dma_wait3A_216 : memref<128x128xf32, #tpu.memory_space<vmem>>)
        %dma_wait3A_223 = arith.constant 128 : i32
        %dma_wait3A_224 = arith.constant 0 : i32
        %dma_wait3A_225 = tpu.memref_slice %arg8[%dma_wait3A_223, %dma_wait3A_224] : memref<200x128xf32, #tpu.memory_space<vmem>> -> memref<72x128xf32, #tpu.memory_space<vmem>>
        %dma_wait3A_226 = arith.constant 128 : i32
        %dma_wait3A_227 = tpu.memref_slice %arg5[%add3A_94, %dma_wait3A_226] : memref<32x200xi32, #tpu.memory_space<vmem>> -> memref<1x72xi32, #tpu.memory_space<vmem>>
        %dma_wait3A_228 = tpu.memref_squeeze %dma_wait3A_227 : memref<1x72xi32, #tpu.memory_space<vmem>> -> memref<72xi32, #tpu.memory_space<vmem>>
        %dma_wait3A_229 = arith.constant 0 : i32
        %dma_wait3A_230 = arith.constant 0 : i32
        %dma_wait3A_231 = tpu.memref_slice %arg7[%dma_wait3A_229, %dma_wait3A_230] : memref<5x128xf32, #tpu.memory_space<vmem_shared>> -> memref<5x128xf32, #tpu.memory_space<vmem_shared>>
        tpu.wait_indirect_dma semaphore(%arg12 : memref<!tpu.dma_semaphore, #tpu.memory_space<semaphore_mem>>) src(%dma_wait3A_231 : memref<5x128xf32, #tpu.memory_space<vmem_shared>>) dst(%dma_wait3A_225 : memref<72x128xf32, #tpu.memory_space<vmem>>)
        %add3A_232 = arith.addi %add3A_53, %add3A_213 : i32
        %mul3A_233 = arith.constant 200 : i32
        %mul3A_234 = arith.muli %add3A_232, %mul3A_233 : i32
        %dma_start3A_235 = arith.constant 0 : i32
        %dma_start3A_236 = tpu.memref_slice %arg4[%mul3A_234, %dma_start3A_235] : memref<3276800x128xf32, #tpu.memory_space<hbm>> -> memref<200x128xf32, #tpu.memory_space<hbm>>
        %dma_start3A_237 = arith.constant 0 : i32
        %dma_start3A_238 = tpu.memref_slice %arg4[%mul3A_234, %dma_start3A_237] : memref<3276800x128xf32, #tpu.memory_space<hbm>> -> memref<200x128xf32, #tpu.memory_space<hbm>>
        tpu.enqueue_dma source(%arg8 : memref<200x128xf32, #tpu.memory_space<vmem>>) target(%dma_start3A_238 : memref<200x128xf32, #tpu.memory_space<hbm>>) target_semaphore(%arg16 : memref<!tpu.dma_semaphore, #tpu.memory_space<semaphore_mem>>)
        %mul3A_239 = arith.constant 4 : i32
        %mul3A_240 = arith.muli %scan3A_90, %mul3A_239 : i32
        %add3A_241 = arith.constant 1 : i32
        %add3A_242 = arith.addi %mul3A_240, %add3A_241 : i32
        %dma_wait3A_243 = arith.constant 0 : i32
        %dma_wait3A_244 = arith.constant 0 : i32
        %dma_wait3A_245 = tpu.memref_slice %arg9[%dma_wait3A_243, %dma_wait3A_244] : memref<200x128xf32, #tpu.memory_space<vmem>> -> memref<128x128xf32, #tpu.memory_space<vmem>>
        %dma_wait3A_246 = arith.constant 0 : i32
        %dma_wait3A_247 = tpu.memref_slice %arg5[%add3A_123, %dma_wait3A_246] : memref<32x200xi32, #tpu.memory_space<vmem>> -> memref<1x128xi32, #tpu.memory_space<vmem>>
        %dma_wait3A_248 = tpu.memref_squeeze %dma_wait3A_247 : memref<1x128xi32, #tpu.memory_space<vmem>> -> memref<128xi32, #tpu.memory_space<vmem>>
        %dma_wait3A_249 = arith.constant 0 : i32
        %dma_wait3A_250 = arith.constant 0 : i32
        %dma_wait3A_251 = tpu.memref_slice %arg7[%dma_wait3A_249, %dma_wait3A_250] : memref<5x128xf32, #tpu.memory_space<vmem_shared>> -> memref<5x128xf32, #tpu.memory_space<vmem_shared>>
        tpu.wait_indirect_dma semaphore(%arg13 : memref<!tpu.dma_semaphore, #tpu.memory_space<semaphore_mem>>) src(%dma_wait3A_251 : memref<5x128xf32, #tpu.memory_space<vmem_shared>>) dst(%dma_wait3A_245 : memref<128x128xf32, #tpu.memory_space<vmem>>)
        %dma_wait3A_252 = arith.constant 128 : i32
        %dma_wait3A_253 = arith.constant 0 : i32
        %dma_wait3A_254 = tpu.memref_slice %arg9[%dma_wait3A_252, %dma_wait3A_253] : memref<200x128xf32, #tpu.memory_space<vmem>> -> memref<72x128xf32, #tpu.memory_space<vmem>>
        %dma_wait3A_255 = arith.constant 128 : i32
        %dma_wait3A_256 = tpu.memref_slice %arg5[%add3A_123, %dma_wait3A_255] : memref<32x200xi32, #tpu.memory_space<vmem>> -> memref<1x72xi32, #tpu.memory_space<vmem>>
        %dma_wait3A_257 = tpu.memref_squeeze %dma_wait3A_256 : memref<1x72xi32, #tpu.memory_space<vmem>> -> memref<72xi32, #tpu.memory_space<vmem>>
        %dma_wait3A_258 = arith.constant 0 : i32
        %dma_wait3A_259 = arith.constant 0 : i32
        %dma_wait3A_260 = tpu.memref_slice %arg7[%dma_wait3A_258, %dma_wait3A_259] : memref<5x128xf32, #tpu.memory_space<vmem_shared>> -> memref<5x128xf32, #tpu.memory_space<vmem_shared>>
        tpu.wait_indirect_dma semaphore(%arg13 : memref<!tpu.dma_semaphore, #tpu.memory_space<semaphore_mem>>) src(%dma_wait3A_260 : memref<5x128xf32, #tpu.memory_space<vmem_shared>>) dst(%dma_wait3A_254 : memref<72x128xf32, #tpu.memory_space<vmem>>)
        %add3A_261 = arith.addi %add3A_53, %add3A_242 : i32
        %mul3A_262 = arith.constant 200 : i32
        %mul3A_263 = arith.muli %add3A_261, %mul3A_262 : i32
        %dma_start3A_264 = arith.constant 0 : i32
        %dma_start3A_265 = tpu.memref_slice %arg4[%mul3A_263, %dma_start3A_264] : memref<3276800x128xf32, #tpu.memory_space<hbm>> -> memref<200x128xf32, #tpu.memory_space<hbm>>
        %dma_start3A_266 = arith.constant 0 : i32
        %dma_start3A_267 = tpu.memref_slice %arg4[%mul3A_263, %dma_start3A_266] : memref<3276800x128xf32, #tpu.memory_space<hbm>> -> memref<200x128xf32, #tpu.memory_space<hbm>>
        tpu.enqueue_dma source(%arg9 : memref<200x128xf32, #tpu.memory_space<vmem>>) target(%dma_start3A_267 : memref<200x128xf32, #tpu.memory_space<hbm>>) target_semaphore(%arg17 : memref<!tpu.dma_semaphore, #tpu.memory_space<semaphore_mem>>)
        %mul3A_268 = arith.constant 4 : i32
        %mul3A_269 = arith.muli %scan3A_90, %mul3A_268 : i32
        %add3A_270 = arith.constant 2 : i32
        %add3A_271 = arith.addi %mul3A_269, %add3A_270 : i32
        %dma_wait3A_272 = arith.constant 0 : i32
        %dma_wait3A_273 = arith.constant 0 : i32
        %dma_wait3A_274 = tpu.memref_slice %arg10[%dma_wait3A_272, %dma_wait3A_273] : memref<200x128xf32, #tpu.memory_space<vmem>> -> memref<128x128xf32, #tpu.memory_space<vmem>>
        %dma_wait3A_275 = arith.constant 0 : i32
        %dma_wait3A_276 = tpu.memref_slice %arg5[%add3A_153, %dma_wait3A_275] : memref<32x200xi32, #tpu.memory_space<vmem>> -> memref<1x128xi32, #tpu.memory_space<vmem>>
        %dma_wait3A_277 = tpu.memref_squeeze %dma_wait3A_276 : memref<1x128xi32, #tpu.memory_space<vmem>> -> memref<128xi32, #tpu.memory_space<vmem>>
        %dma_wait3A_278 = arith.constant 0 : i32
        %dma_wait3A_279 = arith.constant 0 : i32
        %dma_wait3A_280 = tpu.memref_slice %arg7[%dma_wait3A_278, %dma_wait3A_279] : memref<5x128xf32, #tpu.memory_space<vmem_shared>> -> memref<5x128xf32, #tpu.memory_space<vmem_shared>>
        tpu.wait_indirect_dma semaphore(%arg14 : memref<!tpu.dma_semaphore, #tpu.memory_space<semaphore_mem>>) src(%dma_wait3A_280 : memref<5x128xf32, #tpu.memory_space<vmem_shared>>) dst(%dma_wait3A_274 : memref<128x128xf32, #tpu.memory_space<vmem>>)
        %dma_wait3A_281 = arith.constant 128 : i32
        %dma_wait3A_282 = arith.constant 0 : i32
        %dma_wait3A_283 = tpu.memref_slice %arg10[%dma_wait3A_281, %dma_wait3A_282] : memref<200x128xf32, #tpu.memory_space<vmem>> -> memref<72x128xf32, #tpu.memory_space<vmem>>
        %dma_wait3A_284 = arith.constant 128 : i32
        %dma_wait3A_285 = tpu.memref_slice %arg5[%add3A_153, %dma_wait3A_284] : memref<32x200xi32, #tpu.memory_space<vmem>> -> memref<1x72xi32, #tpu.memory_space<vmem>>
        %dma_wait3A_286 = tpu.memref_squeeze %dma_wait3A_285 : memref<1x72xi32, #tpu.memory_space<vmem>> -> memref<72xi32, #tpu.memory_space<vmem>>
        %dma_wait3A_287 = arith.constant 0 : i32
        %dma_wait3A_288 = arith.constant 0 : i32
        %dma_wait3A_289 = tpu.memref_slice %arg7[%dma_wait3A_287, %dma_wait3A_288] : memref<5x128xf32, #tpu.memory_space<vmem_shared>> -> memref<5x128xf32, #tpu.memory_space<vmem_shared>>
        tpu.wait_indirect_dma semaphore(%arg14 : memref<!tpu.dma_semaphore, #tpu.memory_space<semaphore_mem>>) src(%dma_wait3A_289 : memref<5x128xf32, #tpu.memory_space<vmem_shared>>) dst(%dma_wait3A_283 : memref<72x128xf32, #tpu.memory_space<vmem>>)
        %add3A_290 = arith.addi %add3A_53, %add3A_271 : i32
        %mul3A_291 = arith.constant 200 : i32
        %mul3A_292 = arith.muli %add3A_290, %mul3A_291 : i32
        %dma_start3A_293 = arith.constant 0 : i32
        %dma_start3A_294 = tpu.memref_slice %arg4[%mul3A_292, %dma_start3A_293] : memref<3276800x128xf32, #tpu.memory_space<hbm>> -> memref<200x128xf32, #tpu.memory_space<hbm>>
        %dma_start3A_295 = arith.constant 0 : i32
        %dma_start3A_296 = tpu.memref_slice %arg4[%mul3A_292, %dma_start3A_295] : memref<3276800x128xf32, #tpu.memory_space<hbm>> -> memref<200x128xf32, #tpu.memory_space<hbm>>
        tpu.enqueue_dma source(%arg10 : memref<200x128xf32, #tpu.memory_space<vmem>>) target(%dma_start3A_296 : memref<200x128xf32, #tpu.memory_space<hbm>>) target_semaphore(%arg18 : memref<!tpu.dma_semaphore, #tpu.memory_space<semaphore_mem>>)
        %mul3A_297 = arith.constant 4 : i32
        %mul3A_298 = arith.muli %scan3A_90, %mul3A_297 : i32
        %add3A_299 = arith.constant 3 : i32
        %add3A_300 = arith.addi %mul3A_298, %add3A_299 : i32
        %dma_wait3A_301 = arith.constant 0 : i32
        %dma_wait3A_302 = arith.constant 0 : i32
        %dma_wait3A_303 = tpu.memref_slice %arg11[%dma_wait3A_301, %dma_wait3A_302] : memref<200x128xf32, #tpu.memory_space<vmem>> -> memref<128x128xf32, #tpu.memory_space<vmem>>
        %dma_wait3A_304 = arith.constant 0 : i32
        %dma_wait3A_305 = tpu.memref_slice %arg5[%add3A_183, %dma_wait3A_304] : memref<32x200xi32, #tpu.memory_space<vmem>> -> memref<1x128xi32, #tpu.memory_space<vmem>>
        %dma_wait3A_306 = tpu.memref_squeeze %dma_wait3A_305 : memref<1x128xi32, #tpu.memory_space<vmem>> -> memref<128xi32, #tpu.memory_space<vmem>>
        %dma_wait3A_307 = arith.constant 0 : i32
        %dma_wait3A_308 = arith.constant 0 : i32
        %dma_wait3A_309 = tpu.memref_slice %arg7[%dma_wait3A_307, %dma_wait3A_308] : memref<5x128xf32, #tpu.memory_space<vmem_shared>> -> memref<5x128xf32, #tpu.memory_space<vmem_shared>>
        tpu.wait_indirect_dma semaphore(%arg15 : memref<!tpu.dma_semaphore, #tpu.memory_space<semaphore_mem>>) src(%dma_wait3A_309 : memref<5x128xf32, #tpu.memory_space<vmem_shared>>) dst(%dma_wait3A_303 : memref<128x128xf32, #tpu.memory_space<vmem>>)
        %dma_wait3A_310 = arith.constant 128 : i32
        %dma_wait3A_311 = arith.constant 0 : i32
        %dma_wait3A_312 = tpu.memref_slice %arg11[%dma_wait3A_310, %dma_wait3A_311] : memref<200x128xf32, #tpu.memory_space<vmem>> -> memref<72x128xf32, #tpu.memory_space<vmem>>
        %dma_wait3A_313 = arith.constant 128 : i32
        %dma_wait3A_314 = tpu.memref_slice %arg5[%add3A_183, %dma_wait3A_313] : memref<32x200xi32, #tpu.memory_space<vmem>> -> memref<1x72xi32, #tpu.memory_space<vmem>>
        %dma_wait3A_315 = tpu.memref_squeeze %dma_wait3A_314 : memref<1x72xi32, #tpu.memory_space<vmem>> -> memref<72xi32, #tpu.memory_space<vmem>>
        %dma_wait3A_316 = arith.constant 0 : i32
        %dma_wait3A_317 = arith.constant 0 : i32
        %dma_wait3A_318 = tpu.memref_slice %arg7[%dma_wait3A_316, %dma_wait3A_317] : memref<5x128xf32, #tpu.memory_space<vmem_shared>> -> memref<5x128xf32, #tpu.memory_space<vmem_shared>>
        tpu.wait_indirect_dma semaphore(%arg15 : memref<!tpu.dma_semaphore, #tpu.memory_space<semaphore_mem>>) src(%dma_wait3A_318 : memref<5x128xf32, #tpu.memory_space<vmem_shared>>) dst(%dma_wait3A_312 : memref<72x128xf32, #tpu.memory_space<vmem>>)
        %add3A_319 = arith.addi %add3A_53, %add3A_300 : i32
        %mul3A_320 = arith.constant 200 : i32
        %mul3A_321 = arith.muli %add3A_319, %mul3A_320 : i32
        %dma_start3A_322 = arith.constant 0 : i32
        %dma_start3A_323 = tpu.memref_slice %arg4[%mul3A_321, %dma_start3A_322] : memref<3276800x128xf32, #tpu.memory_space<hbm>> -> memref<200x128xf32, #tpu.memory_space<hbm>>
        %dma_start3A_324 = arith.constant 0 : i32
        %dma_start3A_325 = tpu.memref_slice %arg4[%mul3A_321, %dma_start3A_324] : memref<3276800x128xf32, #tpu.memory_space<hbm>> -> memref<200x128xf32, #tpu.memory_space<hbm>>
        tpu.enqueue_dma source(%arg11 : memref<200x128xf32, #tpu.memory_space<vmem>>) target(%dma_start3A_325 : memref<200x128xf32, #tpu.memory_space<hbm>>) target_semaphore(%arg19 : memref<!tpu.dma_semaphore, #tpu.memory_space<semaphore_mem>>)
      }
      %scan3A_59 = arith.constant 8 : i32
      %add3A_60 = arith.constant 2 : i32
      %add3A_61 = arith.addi %mul3A_46, %add3A_60 : i32
      %lt3A = arith.constant 16 : i32
      %lt3A_62 = arith.cmpi slt, %add3A_61, %lt3A : i32
      %convert_element_type3A_63 = arith.extui %lt3A_62 : i1 to i32
      %cond3A_64 = arith.constant 0 : i32
      %cond3A_65 = arith.cmpi ne, %convert_element_type3A_63, %cond3A_64 : i32
      scf.if %cond3A_65 {
        %add3A_90 = arith.constant 2 : i32
        %add3A_91 = arith.addi %mul3A_46, %add3A_90 : i32
        %mul3A_92 = arith.constant 32 : i32
        %mul3A_93 = arith.muli %add3A_91, %mul3A_92 : i32
        %add3A_94 = arith.addi %mul3A_2, %mul3A_93 : i32
        %dma_start3A_95 = arith.constant 0 : i32
        %dma_start3A_96 = tpu.memref_slice %arg2[%add3A_94, %dma_start3A_95] : memref<16384x200xi32, #tpu.memory_space<hbm>> -> memref<32x200xi32, #tpu.memory_space<hbm>>
        %dma_start3A_97 = arith.constant 0 : i32
        %dma_start3A_98 = tpu.memref_slice %arg2[%add3A_94, %dma_start3A_97] : memref<16384x200xi32, #tpu.memory_space<hbm>> -> memref<32x200xi32, #tpu.memory_space<hbm>>
        tpu.enqueue_dma source(%dma_start3A_98 : memref<32x200xi32, #tpu.memory_space<hbm>>) target(%arg5 : memref<32x200xi32, #tpu.memory_space<vmem>>) target_semaphore(%arg20 : memref<!tpu.dma_semaphore, #tpu.memory_space<semaphore_mem>>)
      } else {
      }
      %mul3A_66 = arith.constant 2 : i32
      %mul3A_67 = arith.muli %mul3A_66, %scan3A_44 : i32
      %add3A_68 = arith.constant 1 : i32
      %add3A_69 = arith.addi %mul3A_67, %add3A_68 : i32
      %dma_wait3A_70 = arith.constant 0 : i32
      %dma_wait3A_71 = tpu.memref_slice %arg2[%mul3A_2, %dma_wait3A_70] : memref<16384x200xi32, #tpu.memory_space<hbm>> -> memref<32x200xi32, #tpu.memory_space<hbm>>
      %dma_wait3A_72 = arith.constant 0 : i32
      %dma_wait3A_73 = tpu.memref_slice %arg2[%mul3A_2, %dma_wait3A_72] : memref<16384x200xi32, #tpu.memory_space<hbm>> -> memref<32x200xi32, #tpu.memory_space<hbm>>
      tpu.wait_dma2 semaphore(%arg21 : memref<!tpu.dma_semaphore, #tpu.memory_space<semaphore_mem>>) src(%dma_wait3A_73 : memref<32x200xi32, #tpu.memory_space<hbm>>) dst(%arg6 : memref<32x200xi32, #tpu.memory_space<vmem>>)
      %mul3A_74 = arith.constant 32 : i32
      %mul3A_75 = arith.muli %add3A_69, %mul3A_74 : i32
      %add3A_76 = arith.addi %mul3A_2, %mul3A_75 : i32
      %scan3A_77 = arith.constant 0 : i32
      %scan3A_78 = arith.constant 0 : i32
      %scan3A_79 = arith.constant 8 : i32
      %scan3A_80 = arith.addi %scan3A_78, %scan3A_79 : i32
      %scan3A_81 = arith.constant 1 : i32
      scf.for %scan3A_90 = %scan3A_78 to %scan3A_80 step %scan3A_81  : i32 {
        %mul3A_91 = arith.constant 4 : i32
        %mul3A_92 = arith.muli %scan3A_90, %mul3A_91 : i32
        %add3A_93 = arith.constant 0 : i32
        %add3A_94 = arith.addi %mul3A_92, %add3A_93 : i32
        %mul3A_95 = arith.constant 8 : i32
        %mul3A_96 = arith.muli %add3A_69, %mul3A_95 : i32
        %add3A_97 = arith.addi %mul3A_96, %scan3A_90 : i32
        %ge3A = arith.constant 1 : i32
        %ge3A_98 = arith.cmpi sge, %add3A_97, %ge3A : i32
        %convert_element_type3A_99 = arith.extui %ge3A_98 : i1 to i32
        %cond3A_100 = arith.constant 0 : i32
        %cond3A_101 = arith.cmpi ne, %convert_element_type3A_99, %cond3A_100 : i32
        scf.if %cond3A_101 {
          %dma_wait3A_326 = arith.constant 0 : i32
          %dma_wait3A_327 = arith.constant 0 : i32
          %dma_wait3A_328 = tpu.memref_slice %arg4[%dma_wait3A_326, %dma_wait3A_327] : memref<3276800x128xf32, #tpu.memory_space<hbm>> -> memref<200x128xf32, #tpu.memory_space<hbm>>
          %dma_wait3A_329 = arith.constant 0 : i32
          %dma_wait3A_330 = arith.constant 0 : i32
          %dma_wait3A_331 = tpu.memref_slice %arg4[%dma_wait3A_329, %dma_wait3A_330] : memref<3276800x128xf32, #tpu.memory_space<hbm>> -> memref<200x128xf32, #tpu.memory_space<hbm>>
          tpu.wait_dma2 semaphore(%arg16 : memref<!tpu.dma_semaphore, #tpu.memory_space<semaphore_mem>>) src(%arg8 : memref<200x128xf32, #tpu.memory_space<vmem>>) dst(%dma_wait3A_331 : memref<200x128xf32, #tpu.memory_space<hbm>>)
        } else {
        }
        %dma_start3A_102 = arith.constant 0 : i32
        %dma_start3A_103 = arith.constant 0 : i32
        %dma_start3A_104 = tpu.memref_slice %arg8[%dma_start3A_102, %dma_start3A_103] : memref<200x128xf32, #tpu.memory_space<vmem>> -> memref<128x128xf32, #tpu.memory_space<vmem>>
        %dma_start3A_105 = arith.constant 0 : i32
        %dma_start3A_106 = tpu.memref_slice %arg6[%add3A_94, %dma_start3A_105] : memref<32x200xi32, #tpu.memory_space<vmem>> -> memref<1x128xi32, #tpu.memory_space<vmem>>
        %dma_start3A_107 = tpu.memref_squeeze %dma_start3A_106 : memref<1x128xi32, #tpu.memory_space<vmem>> -> memref<128xi32, #tpu.memory_space<vmem>>
        %dma_start3A_108 = arith.constant 0 : i32
        %dma_start3A_109 = arith.constant 0 : i32
        %dma_start3A_110 = tpu.memref_slice %arg7[%dma_start3A_108, %dma_start3A_109] : memref<5x128xf32, #tpu.memory_space<vmem_shared>> -> memref<5x128xf32, #tpu.memory_space<vmem_shared>>
        tpu.enqueue_indirect_dma source(%dma_start3A_110 : memref<5x128xf32, #tpu.memory_space<vmem_shared>>) target(%dma_start3A_104 : memref<128x128xf32, #tpu.memory_space<vmem>>) offsets(%dma_start3A_107 : memref<128xi32, #tpu.memory_space<vmem>>) semaphore(%arg12 : memref<!tpu.dma_semaphore, #tpu.memory_space<semaphore_mem>>)
        %dma_start3A_111 = arith.constant 128 : i32
        %dma_start3A_112 = arith.constant 0 : i32
        %dma_start3A_113 = tpu.memref_slice %arg8[%dma_start3A_111, %dma_start3A_112] : memref<200x128xf32, #tpu.memory_space<vmem>> -> memref<72x128xf32, #tpu.memory_space<vmem>>
        %dma_start3A_114 = arith.constant 128 : i32
        %dma_start3A_115 = tpu.memref_slice %arg6[%add3A_94, %dma_start3A_114] : memref<32x200xi32, #tpu.memory_space<vmem>> -> memref<1x72xi32, #tpu.memory_space<vmem>>
        %dma_start3A_116 = tpu.memref_squeeze %dma_start3A_115 : memref<1x72xi32, #tpu.memory_space<vmem>> -> memref<72xi32, #tpu.memory_space<vmem>>
        %dma_start3A_117 = arith.constant 0 : i32
        %dma_start3A_118 = arith.constant 0 : i32
        %dma_start3A_119 = tpu.memref_slice %arg7[%dma_start3A_117, %dma_start3A_118] : memref<5x128xf32, #tpu.memory_space<vmem_shared>> -> memref<5x128xf32, #tpu.memory_space<vmem_shared>>
        tpu.enqueue_indirect_dma source(%dma_start3A_119 : memref<5x128xf32, #tpu.memory_space<vmem_shared>>) target(%dma_start3A_113 : memref<72x128xf32, #tpu.memory_space<vmem>>) offsets(%dma_start3A_116 : memref<72xi32, #tpu.memory_space<vmem>>) semaphore(%arg12 : memref<!tpu.dma_semaphore, #tpu.memory_space<semaphore_mem>>)
        %mul3A_120 = arith.constant 4 : i32
        %mul3A_121 = arith.muli %scan3A_90, %mul3A_120 : i32
        %add3A_122 = arith.constant 1 : i32
        %add3A_123 = arith.addi %mul3A_121, %add3A_122 : i32
        %mul3A_124 = arith.constant 8 : i32
        %mul3A_125 = arith.muli %add3A_69, %mul3A_124 : i32
        %add3A_126 = arith.addi %mul3A_125, %scan3A_90 : i32
        %ge3A_127 = arith.constant 1 : i32
        %ge3A_128 = arith.cmpi sge, %add3A_126, %ge3A_127 : i32
        %convert_element_type3A_129 = arith.extui %ge3A_128 : i1 to i32
        %cond3A_130 = arith.constant 0 : i32
        %cond3A_131 = arith.cmpi ne, %convert_element_type3A_129, %cond3A_130 : i32
        scf.if %cond3A_131 {
          %dma_wait3A_326 = arith.constant 0 : i32
          %dma_wait3A_327 = arith.constant 0 : i32
          %dma_wait3A_328 = tpu.memref_slice %arg4[%dma_wait3A_326, %dma_wait3A_327] : memref<3276800x128xf32, #tpu.memory_space<hbm>> -> memref<200x128xf32, #tpu.memory_space<hbm>>
          %dma_wait3A_329 = arith.constant 0 : i32
          %dma_wait3A_330 = arith.constant 0 : i32
          %dma_wait3A_331 = tpu.memref_slice %arg4[%dma_wait3A_329, %dma_wait3A_330] : memref<3276800x128xf32, #tpu.memory_space<hbm>> -> memref<200x128xf32, #tpu.memory_space<hbm>>
          tpu.wait_dma2 semaphore(%arg17 : memref<!tpu.dma_semaphore, #tpu.memory_space<semaphore_mem>>) src(%arg9 : memref<200x128xf32, #tpu.memory_space<vmem>>) dst(%dma_wait3A_331 : memref<200x128xf32, #tpu.memory_space<hbm>>)
        } else {
        }
        %dma_start3A_132 = arith.constant 0 : i32
        %dma_start3A_133 = arith.constant 0 : i32
        %dma_start3A_134 = tpu.memref_slice %arg9[%dma_start3A_132, %dma_start3A_133] : memref<200x128xf32, #tpu.memory_space<vmem>> -> memref<128x128xf32, #tpu.memory_space<vmem>>
        %dma_start3A_135 = arith.constant 0 : i32
        %dma_start3A_136 = tpu.memref_slice %arg6[%add3A_123, %dma_start3A_135] : memref<32x200xi32, #tpu.memory_space<vmem>> -> memref<1x128xi32, #tpu.memory_space<vmem>>
        %dma_start3A_137 = tpu.memref_squeeze %dma_start3A_136 : memref<1x128xi32, #tpu.memory_space<vmem>> -> memref<128xi32, #tpu.memory_space<vmem>>
        %dma_start3A_138 = arith.constant 0 : i32
        %dma_start3A_139 = arith.constant 0 : i32
        %dma_start3A_140 = tpu.memref_slice %arg7[%dma_start3A_138, %dma_start3A_139] : memref<5x128xf32, #tpu.memory_space<vmem_shared>> -> memref<5x128xf32, #tpu.memory_space<vmem_shared>>
        tpu.enqueue_indirect_dma source(%dma_start3A_140 : memref<5x128xf32, #tpu.memory_space<vmem_shared>>) target(%dma_start3A_134 : memref<128x128xf32, #tpu.memory_space<vmem>>) offsets(%dma_start3A_137 : memref<128xi32, #tpu.memory_space<vmem>>) semaphore(%arg13 : memref<!tpu.dma_semaphore, #tpu.memory_space<semaphore_mem>>)
        %dma_start3A_141 = arith.constant 128 : i32
        %dma_start3A_142 = arith.constant 0 : i32
        %dma_start3A_143 = tpu.memref_slice %arg9[%dma_start3A_141, %dma_start3A_142] : memref<200x128xf32, #tpu.memory_space<vmem>> -> memref<72x128xf32, #tpu.memory_space<vmem>>
        %dma_start3A_144 = arith.constant 128 : i32
        %dma_start3A_145 = tpu.memref_slice %arg6[%add3A_123, %dma_start3A_144] : memref<32x200xi32, #tpu.memory_space<vmem>> -> memref<1x72xi32, #tpu.memory_space<vmem>>
        %dma_start3A_146 = tpu.memref_squeeze %dma_start3A_145 : memref<1x72xi32, #tpu.memory_space<vmem>> -> memref<72xi32, #tpu.memory_space<vmem>>
        %dma_start3A_147 = arith.constant 0 : i32
        %dma_start3A_148 = arith.constant 0 : i32
        %dma_start3A_149 = tpu.memref_slice %arg7[%dma_start3A_147, %dma_start3A_148] : memref<5x128xf32, #tpu.memory_space<vmem_shared>> -> memref<5x128xf32, #tpu.memory_space<vmem_shared>>
        tpu.enqueue_indirect_dma source(%dma_start3A_149 : memref<5x128xf32, #tpu.memory_space<vmem_shared>>) target(%dma_start3A_143 : memref<72x128xf32, #tpu.memory_space<vmem>>) offsets(%dma_start3A_146 : memref<72xi32, #tpu.memory_space<vmem>>) semaphore(%arg13 : memref<!tpu.dma_semaphore, #tpu.memory_space<semaphore_mem>>)
        %mul3A_150 = arith.constant 4 : i32
        %mul3A_151 = arith.muli %scan3A_90, %mul3A_150 : i32
        %add3A_152 = arith.constant 2 : i32
        %add3A_153 = arith.addi %mul3A_151, %add3A_152 : i32
        %mul3A_154 = arith.constant 8 : i32
        %mul3A_155 = arith.muli %add3A_69, %mul3A_154 : i32
        %add3A_156 = arith.addi %mul3A_155, %scan3A_90 : i32
        %ge3A_157 = arith.constant 1 : i32
        %ge3A_158 = arith.cmpi sge, %add3A_156, %ge3A_157 : i32
        %convert_element_type3A_159 = arith.extui %ge3A_158 : i1 to i32
        %cond3A_160 = arith.constant 0 : i32
        %cond3A_161 = arith.cmpi ne, %convert_element_type3A_159, %cond3A_160 : i32
        scf.if %cond3A_161 {
          %dma_wait3A_326 = arith.constant 0 : i32
          %dma_wait3A_327 = arith.constant 0 : i32
          %dma_wait3A_328 = tpu.memref_slice %arg4[%dma_wait3A_326, %dma_wait3A_327] : memref<3276800x128xf32, #tpu.memory_space<hbm>> -> memref<200x128xf32, #tpu.memory_space<hbm>>
          %dma_wait3A_329 = arith.constant 0 : i32
          %dma_wait3A_330 = arith.constant 0 : i32
          %dma_wait3A_331 = tpu.memref_slice %arg4[%dma_wait3A_329, %dma_wait3A_330] : memref<3276800x128xf32, #tpu.memory_space<hbm>> -> memref<200x128xf32, #tpu.memory_space<hbm>>
          tpu.wait_dma2 semaphore(%arg18 : memref<!tpu.dma_semaphore, #tpu.memory_space<semaphore_mem>>) src(%arg10 : memref<200x128xf32, #tpu.memory_space<vmem>>) dst(%dma_wait3A_331 : memref<200x128xf32, #tpu.memory_space<hbm>>)
        } else {
        }
        %dma_start3A_162 = arith.constant 0 : i32
        %dma_start3A_163 = arith.constant 0 : i32
        %dma_start3A_164 = tpu.memref_slice %arg10[%dma_start3A_162, %dma_start3A_163] : memref<200x128xf32, #tpu.memory_space<vmem>> -> memref<128x128xf32, #tpu.memory_space<vmem>>
        %dma_start3A_165 = arith.constant 0 : i32
        %dma_start3A_166 = tpu.memref_slice %arg6[%add3A_153, %dma_start3A_165] : memref<32x200xi32, #tpu.memory_space<vmem>> -> memref<1x128xi32, #tpu.memory_space<vmem>>
        %dma_start3A_167 = tpu.memref_squeeze %dma_start3A_166 : memref<1x128xi32, #tpu.memory_space<vmem>> -> memref<128xi32, #tpu.memory_space<vmem>>
        %dma_start3A_168 = arith.constant 0 : i32
        %dma_start3A_169 = arith.constant 0 : i32
        %dma_start3A_170 = tpu.memref_slice %arg7[%dma_start3A_168, %dma_start3A_169] : memref<5x128xf32, #tpu.memory_space<vmem_shared>> -> memref<5x128xf32, #tpu.memory_space<vmem_shared>>
        tpu.enqueue_indirect_dma source(%dma_start3A_170 : memref<5x128xf32, #tpu.memory_space<vmem_shared>>) target(%dma_start3A_164 : memref<128x128xf32, #tpu.memory_space<vmem>>) offsets(%dma_start3A_167 : memref<128xi32, #tpu.memory_space<vmem>>) semaphore(%arg14 : memref<!tpu.dma_semaphore, #tpu.memory_space<semaphore_mem>>)
        %dma_start3A_171 = arith.constant 128 : i32
        %dma_start3A_172 = arith.constant 0 : i32
        %dma_start3A_173 = tpu.memref_slice %arg10[%dma_start3A_171, %dma_start3A_172] : memref<200x128xf32, #tpu.memory_space<vmem>> -> memref<72x128xf32, #tpu.memory_space<vmem>>
        %dma_start3A_174 = arith.constant 128 : i32
        %dma_start3A_175 = tpu.memref_slice %arg6[%add3A_153, %dma_start3A_174] : memref<32x200xi32, #tpu.memory_space<vmem>> -> memref<1x72xi32, #tpu.memory_space<vmem>>
        %dma_start3A_176 = tpu.memref_squeeze %dma_start3A_175 : memref<1x72xi32, #tpu.memory_space<vmem>> -> memref<72xi32, #tpu.memory_space<vmem>>
        %dma_start3A_177 = arith.constant 0 : i32
        %dma_start3A_178 = arith.constant 0 : i32
        %dma_start3A_179 = tpu.memref_slice %arg7[%dma_start3A_177, %dma_start3A_178] : memref<5x128xf32, #tpu.memory_space<vmem_shared>> -> memref<5x128xf32, #tpu.memory_space<vmem_shared>>
        tpu.enqueue_indirect_dma source(%dma_start3A_179 : memref<5x128xf32, #tpu.memory_space<vmem_shared>>) target(%dma_start3A_173 : memref<72x128xf32, #tpu.memory_space<vmem>>) offsets(%dma_start3A_176 : memref<72xi32, #tpu.memory_space<vmem>>) semaphore(%arg14 : memref<!tpu.dma_semaphore, #tpu.memory_space<semaphore_mem>>)
        %mul3A_180 = arith.constant 4 : i32
        %mul3A_181 = arith.muli %scan3A_90, %mul3A_180 : i32
        %add3A_182 = arith.constant 3 : i32
        %add3A_183 = arith.addi %mul3A_181, %add3A_182 : i32
        %mul3A_184 = arith.constant 8 : i32
        %mul3A_185 = arith.muli %add3A_69, %mul3A_184 : i32
        %add3A_186 = arith.addi %mul3A_185, %scan3A_90 : i32
        %ge3A_187 = arith.constant 1 : i32
        %ge3A_188 = arith.cmpi sge, %add3A_186, %ge3A_187 : i32
        %convert_element_type3A_189 = arith.extui %ge3A_188 : i1 to i32
        %cond3A_190 = arith.constant 0 : i32
        %cond3A_191 = arith.cmpi ne, %convert_element_type3A_189, %cond3A_190 : i32
        scf.if %cond3A_191 {
          %dma_wait3A_326 = arith.constant 0 : i32
          %dma_wait3A_327 = arith.constant 0 : i32
          %dma_wait3A_328 = tpu.memref_slice %arg4[%dma_wait3A_326, %dma_wait3A_327] : memref<3276800x128xf32, #tpu.memory_space<hbm>> -> memref<200x128xf32, #tpu.memory_space<hbm>>
          %dma_wait3A_329 = arith.constant 0 : i32
          %dma_wait3A_330 = arith.constant 0 : i32
          %dma_wait3A_331 = tpu.memref_slice %arg4[%dma_wait3A_329, %dma_wait3A_330] : memref<3276800x128xf32, #tpu.memory_space<hbm>> -> memref<200x128xf32, #tpu.memory_space<hbm>>
          tpu.wait_dma2 semaphore(%arg19 : memref<!tpu.dma_semaphore, #tpu.memory_space<semaphore_mem>>) src(%arg11 : memref<200x128xf32, #tpu.memory_space<vmem>>) dst(%dma_wait3A_331 : memref<200x128xf32, #tpu.memory_space<hbm>>)
        } else {
        }
        %dma_start3A_192 = arith.constant 0 : i32
        %dma_start3A_193 = arith.constant 0 : i32
        %dma_start3A_194 = tpu.memref_slice %arg11[%dma_start3A_192, %dma_start3A_193] : memref<200x128xf32, #tpu.memory_space<vmem>> -> memref<128x128xf32, #tpu.memory_space<vmem>>
        %dma_start3A_195 = arith.constant 0 : i32
        %dma_start3A_196 = tpu.memref_slice %arg6[%add3A_183, %dma_start3A_195] : memref<32x200xi32, #tpu.memory_space<vmem>> -> memref<1x128xi32, #tpu.memory_space<vmem>>
        %dma_start3A_197 = tpu.memref_squeeze %dma_start3A_196 : memref<1x128xi32, #tpu.memory_space<vmem>> -> memref<128xi32, #tpu.memory_space<vmem>>
        %dma_start3A_198 = arith.constant 0 : i32
        %dma_start3A_199 = arith.constant 0 : i32
        %dma_start3A_200 = tpu.memref_slice %arg7[%dma_start3A_198, %dma_start3A_199] : memref<5x128xf32, #tpu.memory_space<vmem_shared>> -> memref<5x128xf32, #tpu.memory_space<vmem_shared>>
        tpu.enqueue_indirect_dma source(%dma_start3A_200 : memref<5x128xf32, #tpu.memory_space<vmem_shared>>) target(%dma_start3A_194 : memref<128x128xf32, #tpu.memory_space<vmem>>) offsets(%dma_start3A_197 : memref<128xi32, #tpu.memory_space<vmem>>) semaphore(%arg15 : memref<!tpu.dma_semaphore, #tpu.memory_space<semaphore_mem>>)
        %dma_start3A_201 = arith.constant 128 : i32
        %dma_start3A_202 = arith.constant 0 : i32
        %dma_start3A_203 = tpu.memref_slice %arg11[%dma_start3A_201, %dma_start3A_202] : memref<200x128xf32, #tpu.memory_space<vmem>> -> memref<72x128xf32, #tpu.memory_space<vmem>>
        %dma_start3A_204 = arith.constant 128 : i32
        %dma_start3A_205 = tpu.memref_slice %arg6[%add3A_183, %dma_start3A_204] : memref<32x200xi32, #tpu.memory_space<vmem>> -> memref<1x72xi32, #tpu.memory_space<vmem>>
        %dma_start3A_206 = tpu.memref_squeeze %dma_start3A_205 : memref<1x72xi32, #tpu.memory_space<vmem>> -> memref<72xi32, #tpu.memory_space<vmem>>
        %dma_start3A_207 = arith.constant 0 : i32
        %dma_start3A_208 = arith.constant 0 : i32
        %dma_start3A_209 = tpu.memref_slice %arg7[%dma_start3A_207, %dma_start3A_208] : memref<5x128xf32, #tpu.memory_space<vmem_shared>> -> memref<5x128xf32, #tpu.memory_space<vmem_shared>>
        tpu.enqueue_indirect_dma source(%dma_start3A_209 : memref<5x128xf32, #tpu.memory_space<vmem_shared>>) target(%dma_start3A_203 : memref<72x128xf32, #tpu.memory_space<vmem>>) offsets(%dma_start3A_206 : memref<72xi32, #tpu.memory_space<vmem>>) semaphore(%arg15 : memref<!tpu.dma_semaphore, #tpu.memory_space<semaphore_mem>>)
        %mul3A_210 = arith.constant 4 : i32
        %mul3A_211 = arith.muli %scan3A_90, %mul3A_210 : i32
        %add3A_212 = arith.constant 0 : i32
        %add3A_213 = arith.addi %mul3A_211, %add3A_212 : i32
        %dma_wait3A_214 = arith.constant 0 : i32
        %dma_wait3A_215 = arith.constant 0 : i32
        %dma_wait3A_216 = tpu.memref_slice %arg8[%dma_wait3A_214, %dma_wait3A_215] : memref<200x128xf32, #tpu.memory_space<vmem>> -> memref<128x128xf32, #tpu.memory_space<vmem>>
        %dma_wait3A_217 = arith.constant 0 : i32
        %dma_wait3A_218 = tpu.memref_slice %arg6[%add3A_94, %dma_wait3A_217] : memref<32x200xi32, #tpu.memory_space<vmem>> -> memref<1x128xi32, #tpu.memory_space<vmem>>
        %dma_wait3A_219 = tpu.memref_squeeze %dma_wait3A_218 : memref<1x128xi32, #tpu.memory_space<vmem>> -> memref<128xi32, #tpu.memory_space<vmem>>
        %dma_wait3A_220 = arith.constant 0 : i32
        %dma_wait3A_221 = arith.constant 0 : i32
        %dma_wait3A_222 = tpu.memref_slice %arg7[%dma_wait3A_220, %dma_wait3A_221] : memref<5x128xf32, #tpu.memory_space<vmem_shared>> -> memref<5x128xf32, #tpu.memory_space<vmem_shared>>
        tpu.wait_indirect_dma semaphore(%arg12 : memref<!tpu.dma_semaphore, #tpu.memory_space<semaphore_mem>>) src(%dma_wait3A_222 : memref<5x128xf32, #tpu.memory_space<vmem_shared>>) dst(%dma_wait3A_216 : memref<128x128xf32, #tpu.memory_space<vmem>>)
        %dma_wait3A_223 = arith.constant 128 : i32
        %dma_wait3A_224 = arith.constant 0 : i32
        %dma_wait3A_225 = tpu.memref_slice %arg8[%dma_wait3A_223, %dma_wait3A_224] : memref<200x128xf32, #tpu.memory_space<vmem>> -> memref<72x128xf32, #tpu.memory_space<vmem>>
        %dma_wait3A_226 = arith.constant 128 : i32
        %dma_wait3A_227 = tpu.memref_slice %arg6[%add3A_94, %dma_wait3A_226] : memref<32x200xi32, #tpu.memory_space<vmem>> -> memref<1x72xi32, #tpu.memory_space<vmem>>
        %dma_wait3A_228 = tpu.memref_squeeze %dma_wait3A_227 : memref<1x72xi32, #tpu.memory_space<vmem>> -> memref<72xi32, #tpu.memory_space<vmem>>
        %dma_wait3A_229 = arith.constant 0 : i32
        %dma_wait3A_230 = arith.constant 0 : i32
        %dma_wait3A_231 = tpu.memref_slice %arg7[%dma_wait3A_229, %dma_wait3A_230] : memref<5x128xf32, #tpu.memory_space<vmem_shared>> -> memref<5x128xf32, #tpu.memory_space<vmem_shared>>
        tpu.wait_indirect_dma semaphore(%arg12 : memref<!tpu.dma_semaphore, #tpu.memory_space<semaphore_mem>>) src(%dma_wait3A_231 : memref<5x128xf32, #tpu.memory_space<vmem_shared>>) dst(%dma_wait3A_225 : memref<72x128xf32, #tpu.memory_space<vmem>>)
        %add3A_232 = arith.addi %add3A_76, %add3A_213 : i32
        %mul3A_233 = arith.constant 200 : i32
        %mul3A_234 = arith.muli %add3A_232, %mul3A_233 : i32
        %dma_start3A_235 = arith.constant 0 : i32
        %dma_start3A_236 = tpu.memref_slice %arg4[%mul3A_234, %dma_start3A_235] : memref<3276800x128xf32, #tpu.memory_space<hbm>> -> memref<200x128xf32, #tpu.memory_space<hbm>>
        %dma_start3A_237 = arith.constant 0 : i32
        %dma_start3A_238 = tpu.memref_slice %arg4[%mul3A_234, %dma_start3A_237] : memref<3276800x128xf32, #tpu.memory_space<hbm>> -> memref<200x128xf32, #tpu.memory_space<hbm>>
        tpu.enqueue_dma source(%arg8 : memref<200x128xf32, #tpu.memory_space<vmem>>) target(%dma_start3A_238 : memref<200x128xf32, #tpu.memory_space<hbm>>) target_semaphore(%arg16 : memref<!tpu.dma_semaphore, #tpu.memory_space<semaphore_mem>>)
        %mul3A_239 = arith.constant 4 : i32
        %mul3A_240 = arith.muli %scan3A_90, %mul3A_239 : i32
        %add3A_241 = arith.constant 1 : i32
        %add3A_242 = arith.addi %mul3A_240, %add3A_241 : i32
        %dma_wait3A_243 = arith.constant 0 : i32
        %dma_wait3A_244 = arith.constant 0 : i32
        %dma_wait3A_245 = tpu.memref_slice %arg9[%dma_wait3A_243, %dma_wait3A_244] : memref<200x128xf32, #tpu.memory_space<vmem>> -> memref<128x128xf32, #tpu.memory_space<vmem>>
        %dma_wait3A_246 = arith.constant 0 : i32
        %dma_wait3A_247 = tpu.memref_slice %arg6[%add3A_123, %dma_wait3A_246] : memref<32x200xi32, #tpu.memory_space<vmem>> -> memref<1x128xi32, #tpu.memory_space<vmem>>
        %dma_wait3A_248 = tpu.memref_squeeze %dma_wait3A_247 : memref<1x128xi32, #tpu.memory_space<vmem>> -> memref<128xi32, #tpu.memory_space<vmem>>
        %dma_wait3A_249 = arith.constant 0 : i32
        %dma_wait3A_250 = arith.constant 0 : i32
        %dma_wait3A_251 = tpu.memref_slice %arg7[%dma_wait3A_249, %dma_wait3A_250] : memref<5x128xf32, #tpu.memory_space<vmem_shared>> -> memref<5x128xf32, #tpu.memory_space<vmem_shared>>
        tpu.wait_indirect_dma semaphore(%arg13 : memref<!tpu.dma_semaphore, #tpu.memory_space<semaphore_mem>>) src(%dma_wait3A_251 : memref<5x128xf32, #tpu.memory_space<vmem_shared>>) dst(%dma_wait3A_245 : memref<128x128xf32, #tpu.memory_space<vmem>>)
        %dma_wait3A_252 = arith.constant 128 : i32
        %dma_wait3A_253 = arith.constant 0 : i32
        %dma_wait3A_254 = tpu.memref_slice %arg9[%dma_wait3A_252, %dma_wait3A_253] : memref<200x128xf32, #tpu.memory_space<vmem>> -> memref<72x128xf32, #tpu.memory_space<vmem>>
        %dma_wait3A_255 = arith.constant 128 : i32
        %dma_wait3A_256 = tpu.memref_slice %arg6[%add3A_123, %dma_wait3A_255] : memref<32x200xi32, #tpu.memory_space<vmem>> -> memref<1x72xi32, #tpu.memory_space<vmem>>
        %dma_wait3A_257 = tpu.memref_squeeze %dma_wait3A_256 : memref<1x72xi32, #tpu.memory_space<vmem>> -> memref<72xi32, #tpu.memory_space<vmem>>
        %dma_wait3A_258 = arith.constant 0 : i32
        %dma_wait3A_259 = arith.constant 0 : i32
        %dma_wait3A_260 = tpu.memref_slice %arg7[%dma_wait3A_258, %dma_wait3A_259] : memref<5x128xf32, #tpu.memory_space<vmem_shared>> -> memref<5x128xf32, #tpu.memory_space<vmem_shared>>
        tpu.wait_indirect_dma semaphore(%arg13 : memref<!tpu.dma_semaphore, #tpu.memory_space<semaphore_mem>>) src(%dma_wait3A_260 : memref<5x128xf32, #tpu.memory_space<vmem_shared>>) dst(%dma_wait3A_254 : memref<72x128xf32, #tpu.memory_space<vmem>>)
        %add3A_261 = arith.addi %add3A_76, %add3A_242 : i32
        %mul3A_262 = arith.constant 200 : i32
        %mul3A_263 = arith.muli %add3A_261, %mul3A_262 : i32
        %dma_start3A_264 = arith.constant 0 : i32
        %dma_start3A_265 = tpu.memref_slice %arg4[%mul3A_263, %dma_start3A_264] : memref<3276800x128xf32, #tpu.memory_space<hbm>> -> memref<200x128xf32, #tpu.memory_space<hbm>>
        %dma_start3A_266 = arith.constant 0 : i32
        %dma_start3A_267 = tpu.memref_slice %arg4[%mul3A_263, %dma_start3A_266] : memref<3276800x128xf32, #tpu.memory_space<hbm>> -> memref<200x128xf32, #tpu.memory_space<hbm>>
        tpu.enqueue_dma source(%arg9 : memref<200x128xf32, #tpu.memory_space<vmem>>) target(%dma_start3A_267 : memref<200x128xf32, #tpu.memory_space<hbm>>) target_semaphore(%arg17 : memref<!tpu.dma_semaphore, #tpu.memory_space<semaphore_mem>>)
        %mul3A_268 = arith.constant 4 : i32
        %mul3A_269 = arith.muli %scan3A_90, %mul3A_268 : i32
        %add3A_270 = arith.constant 2 : i32
        %add3A_271 = arith.addi %mul3A_269, %add3A_270 : i32
        %dma_wait3A_272 = arith.constant 0 : i32
        %dma_wait3A_273 = arith.constant 0 : i32
        %dma_wait3A_274 = tpu.memref_slice %arg10[%dma_wait3A_272, %dma_wait3A_273] : memref<200x128xf32, #tpu.memory_space<vmem>> -> memref<128x128xf32, #tpu.memory_space<vmem>>
        %dma_wait3A_275 = arith.constant 0 : i32
        %dma_wait3A_276 = tpu.memref_slice %arg6[%add3A_153, %dma_wait3A_275] : memref<32x200xi32, #tpu.memory_space<vmem>> -> memref<1x128xi32, #tpu.memory_space<vmem>>
        %dma_wait3A_277 = tpu.memref_squeeze %dma_wait3A_276 : memref<1x128xi32, #tpu.memory_space<vmem>> -> memref<128xi32, #tpu.memory_space<vmem>>
        %dma_wait3A_278 = arith.constant 0 : i32
        %dma_wait3A_279 = arith.constant 0 : i32
        %dma_wait3A_280 = tpu.memref_slice %arg7[%dma_wait3A_278, %dma_wait3A_279] : memref<5x128xf32, #tpu.memory_space<vmem_shared>> -> memref<5x128xf32, #tpu.memory_space<vmem_shared>>
        tpu.wait_indirect_dma semaphore(%arg14 : memref<!tpu.dma_semaphore, #tpu.memory_space<semaphore_mem>>) src(%dma_wait3A_280 : memref<5x128xf32, #tpu.memory_space<vmem_shared>>) dst(%dma_wait3A_274 : memref<128x128xf32, #tpu.memory_space<vmem>>)
        %dma_wait3A_281 = arith.constant 128 : i32
        %dma_wait3A_282 = arith.constant 0 : i32
        %dma_wait3A_283 = tpu.memref_slice %arg10[%dma_wait3A_281, %dma_wait3A_282] : memref<200x128xf32, #tpu.memory_space<vmem>> -> memref<72x128xf32, #tpu.memory_space<vmem>>
        %dma_wait3A_284 = arith.constant 128 : i32
        %dma_wait3A_285 = tpu.memref_slice %arg6[%add3A_153, %dma_wait3A_284] : memref<32x200xi32, #tpu.memory_space<vmem>> -> memref<1x72xi32, #tpu.memory_space<vmem>>
        %dma_wait3A_286 = tpu.memref_squeeze %dma_wait3A_285 : memref<1x72xi32, #tpu.memory_space<vmem>> -> memref<72xi32, #tpu.memory_space<vmem>>
        %dma_wait3A_287 = arith.constant 0 : i32
        %dma_wait3A_288 = arith.constant 0 : i32
        %dma_wait3A_289 = tpu.memref_slice %arg7[%dma_wait3A_287, %dma_wait3A_288] : memref<5x128xf32, #tpu.memory_space<vmem_shared>> -> memref<5x128xf32, #tpu.memory_space<vmem_shared>>
        tpu.wait_indirect_dma semaphore(%arg14 : memref<!tpu.dma_semaphore, #tpu.memory_space<semaphore_mem>>) src(%dma_wait3A_289 : memref<5x128xf32, #tpu.memory_space<vmem_shared>>) dst(%dma_wait3A_283 : memref<72x128xf32, #tpu.memory_space<vmem>>)
        %add3A_290 = arith.addi %add3A_76, %add3A_271 : i32
        %mul3A_291 = arith.constant 200 : i32
        %mul3A_292 = arith.muli %add3A_290, %mul3A_291 : i32
        %dma_start3A_293 = arith.constant 0 : i32
        %dma_start3A_294 = tpu.memref_slice %arg4[%mul3A_292, %dma_start3A_293] : memref<3276800x128xf32, #tpu.memory_space<hbm>> -> memref<200x128xf32, #tpu.memory_space<hbm>>
        %dma_start3A_295 = arith.constant 0 : i32
        %dma_start3A_296 = tpu.memref_slice %arg4[%mul3A_292, %dma_start3A_295] : memref<3276800x128xf32, #tpu.memory_space<hbm>> -> memref<200x128xf32, #tpu.memory_space<hbm>>
        tpu.enqueue_dma source(%arg10 : memref<200x128xf32, #tpu.memory_space<vmem>>) target(%dma_start3A_296 : memref<200x128xf32, #tpu.memory_space<hbm>>) target_semaphore(%arg18 : memref<!tpu.dma_semaphore, #tpu.memory_space<semaphore_mem>>)
        %mul3A_297 = arith.constant 4 : i32
        %mul3A_298 = arith.muli %scan3A_90, %mul3A_297 : i32
        %add3A_299 = arith.constant 3 : i32
        %add3A_300 = arith.addi %mul3A_298, %add3A_299 : i32
        %dma_wait3A_301 = arith.constant 0 : i32
        %dma_wait3A_302 = arith.constant 0 : i32
        %dma_wait3A_303 = tpu.memref_slice %arg11[%dma_wait3A_301, %dma_wait3A_302] : memref<200x128xf32, #tpu.memory_space<vmem>> -> memref<128x128xf32, #tpu.memory_space<vmem>>
        %dma_wait3A_304 = arith.constant 0 : i32
        %dma_wait3A_305 = tpu.memref_slice %arg6[%add3A_183, %dma_wait3A_304] : memref<32x200xi32, #tpu.memory_space<vmem>> -> memref<1x128xi32, #tpu.memory_space<vmem>>
        %dma_wait3A_306 = tpu.memref_squeeze %dma_wait3A_305 : memref<1x128xi32, #tpu.memory_space<vmem>> -> memref<128xi32, #tpu.memory_space<vmem>>
        %dma_wait3A_307 = arith.constant 0 : i32
        %dma_wait3A_308 = arith.constant 0 : i32
        %dma_wait3A_309 = tpu.memref_slice %arg7[%dma_wait3A_307, %dma_wait3A_308] : memref<5x128xf32, #tpu.memory_space<vmem_shared>> -> memref<5x128xf32, #tpu.memory_space<vmem_shared>>
        tpu.wait_indirect_dma semaphore(%arg15 : memref<!tpu.dma_semaphore, #tpu.memory_space<semaphore_mem>>) src(%dma_wait3A_309 : memref<5x128xf32, #tpu.memory_space<vmem_shared>>) dst(%dma_wait3A_303 : memref<128x128xf32, #tpu.memory_space<vmem>>)
        %dma_wait3A_310 = arith.constant 128 : i32
        %dma_wait3A_311 = arith.constant 0 : i32
        %dma_wait3A_312 = tpu.memref_slice %arg11[%dma_wait3A_310, %dma_wait3A_311] : memref<200x128xf32, #tpu.memory_space<vmem>> -> memref<72x128xf32, #tpu.memory_space<vmem>>
        %dma_wait3A_313 = arith.constant 128 : i32
        %dma_wait3A_314 = tpu.memref_slice %arg6[%add3A_183, %dma_wait3A_313] : memref<32x200xi32, #tpu.memory_space<vmem>> -> memref<1x72xi32, #tpu.memory_space<vmem>>
        %dma_wait3A_315 = tpu.memref_squeeze %dma_wait3A_314 : memref<1x72xi32, #tpu.memory_space<vmem>> -> memref<72xi32, #tpu.memory_space<vmem>>
        %dma_wait3A_316 = arith.constant 0 : i32
        %dma_wait3A_317 = arith.constant 0 : i32
        %dma_wait3A_318 = tpu.memref_slice %arg7[%dma_wait3A_316, %dma_wait3A_317] : memref<5x128xf32, #tpu.memory_space<vmem_shared>> -> memref<5x128xf32, #tpu.memory_space<vmem_shared>>
        tpu.wait_indirect_dma semaphore(%arg15 : memref<!tpu.dma_semaphore, #tpu.memory_space<semaphore_mem>>) src(%dma_wait3A_318 : memref<5x128xf32, #tpu.memory_space<vmem_shared>>) dst(%dma_wait3A_312 : memref<72x128xf32, #tpu.memory_space<vmem>>)
        %add3A_319 = arith.addi %add3A_76, %add3A_300 : i32
        %mul3A_320 = arith.constant 200 : i32
        %mul3A_321 = arith.muli %add3A_319, %mul3A_320 : i32
        %dma_start3A_322 = arith.constant 0 : i32
        %dma_start3A_323 = tpu.memref_slice %arg4[%mul3A_321, %dma_start3A_322] : memref<3276800x128xf32, #tpu.memory_space<hbm>> -> memref<200x128xf32, #tpu.memory_space<hbm>>
        %dma_start3A_324 = arith.constant 0 : i32
        %dma_start3A_325 = tpu.memref_slice %arg4[%mul3A_321, %dma_start3A_324] : memref<3276800x128xf32, #tpu.memory_space<hbm>> -> memref<200x128xf32, #tpu.memory_space<hbm>>
        tpu.enqueue_dma source(%arg11 : memref<200x128xf32, #tpu.memory_space<vmem>>) target(%dma_start3A_325 : memref<200x128xf32, #tpu.memory_space<hbm>>) target_semaphore(%arg19 : memref<!tpu.dma_semaphore, #tpu.memory_space<semaphore_mem>>)
      }
      %scan3A_82 = arith.constant 8 : i32
      %add3A_83 = arith.constant 2 : i32
      %add3A_84 = arith.addi %add3A_69, %add3A_83 : i32
      %lt3A_85 = arith.constant 16 : i32
      %lt3A_86 = arith.cmpi slt, %add3A_84, %lt3A_85 : i32
      %convert_element_type3A_87 = arith.extui %lt3A_86 : i1 to i32
      %cond3A_88 = arith.constant 0 : i32
      %cond3A_89 = arith.cmpi ne, %convert_element_type3A_87, %cond3A_88 : i32
      scf.if %cond3A_89 {
        %add3A_90 = arith.constant 2 : i32
        %add3A_91 = arith.addi %add3A_69, %add3A_90 : i32
        %mul3A_92 = arith.constant 32 : i32
        %mul3A_93 = arith.muli %add3A_91, %mul3A_92 : i32
        %add3A_94 = arith.addi %mul3A_2, %mul3A_93 : i32
        %dma_start3A_95 = arith.constant 0 : i32
        %dma_start3A_96 = tpu.memref_slice %arg2[%add3A_94, %dma_start3A_95] : memref<16384x200xi32, #tpu.memory_space<hbm>> -> memref<32x200xi32, #tpu.memory_space<hbm>>
        %dma_start3A_97 = arith.constant 0 : i32
        %dma_start3A_98 = tpu.memref_slice %arg2[%add3A_94, %dma_start3A_97] : memref<16384x200xi32, #tpu.memory_space<hbm>> -> memref<32x200xi32, #tpu.memory_space<hbm>>
        tpu.enqueue_dma source(%dma_start3A_98 : memref<32x200xi32, #tpu.memory_space<hbm>>) target(%arg6 : memref<32x200xi32, #tpu.memory_space<vmem>>) target_semaphore(%arg21 : memref<!tpu.dma_semaphore, #tpu.memory_space<semaphore_mem>>)
      } else {
      }
    }
    %scan3A_20 = arith.constant 8 : i32
    %dma_wait3A = arith.constant 0 : i32
    %dma_wait3A_21 = arith.constant 0 : i32
    %dma_wait3A_22 = tpu.memref_slice %arg4[%dma_wait3A, %dma_wait3A_21] : memref<3276800x128xf32, #tpu.memory_space<hbm>> -> memref<200x128xf32, #tpu.memory_space<hbm>>
    %dma_wait3A_23 = arith.constant 0 : i32
    %dma_wait3A_24 = arith.constant 0 : i32
    %dma_wait3A_25 = tpu.memref_slice %arg4[%dma_wait3A_23, %dma_wait3A_24] : memref<3276800x128xf32, #tpu.memory_space<hbm>> -> memref<200x128xf32, #tpu.memory_space<hbm>>
    tpu.wait_dma2 semaphore(%arg16 : memref<!tpu.dma_semaphore, #tpu.memory_space<semaphore_mem>>) src(%arg8 : memref<200x128xf32, #tpu.memory_space<vmem>>) dst(%dma_wait3A_25 : memref<200x128xf32, #tpu.memory_space<hbm>>)
    %dma_wait3A_26 = arith.constant 0 : i32
    %dma_wait3A_27 = arith.constant 0 : i32
    %dma_wait3A_28 = tpu.memref_slice %arg4[%dma_wait3A_26, %dma_wait3A_27] : memref<3276800x128xf32, #tpu.memory_space<hbm>> -> memref<200x128xf32, #tpu.memory_space<hbm>>
    %dma_wait3A_29 = arith.constant 0 : i32
    %dma_wait3A_30 = arith.constant 0 : i32
    %dma_wait3A_31 = tpu.memref_slice %arg4[%dma_wait3A_29, %dma_wait3A_30] : memref<3276800x128xf32, #tpu.memory_space<hbm>> -> memref<200x128xf32, #tpu.memory_space<hbm>>
    tpu.wait_dma2 semaphore(%arg17 : memref<!tpu.dma_semaphore, #tpu.memory_space<semaphore_mem>>) src(%arg9 : memref<200x128xf32, #tpu.memory_space<vmem>>) dst(%dma_wait3A_31 : memref<200x128xf32, #tpu.memory_space<hbm>>)
    %dma_wait3A_32 = arith.constant 0 : i32
    %dma_wait3A_33 = arith.constant 0 : i32
    %dma_wait3A_34 = tpu.memref_slice %arg4[%dma_wait3A_32, %dma_wait3A_33] : memref<3276800x128xf32, #tpu.memory_space<hbm>> -> memref<200x128xf32, #tpu.memory_space<hbm>>
    %dma_wait3A_35 = arith.constant 0 : i32
    %dma_wait3A_36 = arith.constant 0 : i32
    %dma_wait3A_37 = tpu.memref_slice %arg4[%dma_wait3A_35, %dma_wait3A_36] : memref<3276800x128xf32, #tpu.memory_space<hbm>> -> memref<200x128xf32, #tpu.memory_space<hbm>>
    tpu.wait_dma2 semaphore(%arg18 : memref<!tpu.dma_semaphore, #tpu.memory_space<semaphore_mem>>) src(%arg10 : memref<200x128xf32, #tpu.memory_space<vmem>>) dst(%dma_wait3A_37 : memref<200x128xf32, #tpu.memory_space<hbm>>)
    %dma_wait3A_38 = arith.constant 0 : i32
    %dma_wait3A_39 = arith.constant 0 : i32
    %dma_wait3A_40 = tpu.memref_slice %arg4[%dma_wait3A_38, %dma_wait3A_39] : memref<3276800x128xf32, #tpu.memory_space<hbm>> -> memref<200x128xf32, #tpu.memory_space<hbm>>
    %dma_wait3A_41 = arith.constant 0 : i32
    %dma_wait3A_42 = arith.constant 0 : i32
    %dma_wait3A_43 = tpu.memref_slice %arg4[%dma_wait3A_41, %dma_wait3A_42] : memref<3276800x128xf32, #tpu.memory_space<hbm>> -> memref<200x128xf32, #tpu.memory_space<hbm>>
    tpu.wait_dma2 semaphore(%arg19 : memref<!tpu.dma_semaphore, #tpu.memory_space<semaphore_mem>>) src(%arg11 : memref<200x128xf32, #tpu.memory_space<vmem>>) dst(%dma_wait3A_43 : memref<200x128xf32, #tpu.memory_space<hbm>>)
    return
  }
}

</mosaic_0001>

<sc_bundles>
// kernel: kernel.3.cloned.1.call-start
scs
__scs_entry_jumppad:
0x0: {  	(pc) =	sbr.rel $0x88, $3  }
0x1: {  	(tag) =	ssettag $0x0;
	lr =	simm.s32 $0x1  }
0x2: {  	[smem:$0x3F9F] =	sst lr;
	_ =	strace $0xD0000000  }
0x3: {  	_ = 	snop  }
0x4: {  	_ = 	snop  }
0x5: {  	_ = 	snop  }
0x6: {  	_ = 	snop  }
0x7: {  	_ = 	snop  }
__scs_overlays_trampoline_lowered:
0x8: {  	[smem:$0x3FAE] =	sst s0  }
0x9: {  	[smem:$0x3FAF] =	sst s1  }
0xa: {  	[smem:$0x3FB0] =	sst s2  }
0xb: {  	[smem:$0x3FB1] =	sst s3  }
0xc: {  	[smem:$0x3FB2] =	sst s4  }
0xd: {  	[smem:$0x3FB3] =	sst s5  }
0xe: {  	[smem:$0x3FB4] =	sst s6  }
0xf: {  	[smem:$0x3FB5] =	sst s7  }
0x10: {  	[smem:$0x3FB6] =	sst s8  }
0x11: {  	[smem:$0x3FB7] =	sst s9;
	s0 =	simm.s32 @!p0 $0x0  }
0x12: {  	s1 =	sld [smem:$0x3F9D];
	s0 =	simm.s32 @p0 $0x1  }
0x13: {  	[smem:$0x3FB8] =	sst s0;
	s0 =	simm.s32 @!p1 $0x0  }
0x14: {  	s2 =	sld [smem:$0x3F9C];
	s0 =	simm.s32 @p1 $0x1  }
0x15: {  	[smem:$0x3FB9] =	sst s0;
	s0 =	simm.s32 @!p2 $0x0  }
0x16: {  	s3 =	sld [smem:$0x3FDB];
	s0 =	simm.s32 @p2 $0x1  }
0x17: {  	s4 =	simm.s32 $0x1BF5;
	[smem:$0x3FBB] =	sst s0  }
0x18: {  	s0 =	sld [smem:$0x3F9E];
	_ =	swait.ge [sflag:s4], $0x0  }
0x19: {  	s7 =	sld [smem:$0x3F9F]  }
0x1a: {  	s8 =	sadd.s32 $0xFFFFE003, lr  }
0x1b: {  	s9 =	sadd.s32 $0xFFFFFEF7, lr;
	s5 =	simm.s32 $0xFFFFFFFF;
	p2 =	slt.u32 s8, $0xFFFFF086  }
0x1c: {  	p1 =	slt.u32 s9, $0xF7A;
	s5 =	simm.s32 @!p2 $0x0  }
0x1d: {  	s5 =	simm.s32 @p1 $0x1;
	p0 =	seq.s32 s7, s2  }
0x1e: {  	s7 =	smul.u32 @!p0 $0xF7A, s2;
	p2 =	seq.s32 @!p0 s5, $0x0  }
0x1f: {  	s9 =	smul.u32 $0xF7A, s1;
	s8 =	simm.s32 @!p0 $0x1BF5;
	p2 =	por !p2, p0  }
0x20: {  	[sflag:s8] =	ssyncset.s32 @!p0 $0xFFFFF086;
	s6 =	sadd.s32 @!p0 s3, s7;
	s7 =	simm.s32 @!p0 $0x108  }
0x21: {  	s3 =	sadd.s32 s3, s9;
	s6 =	sadd.s32 @!p0 $0x88, s6;
	s7 =	simm.s32 @p2 $0x1082  }
0x22: {  	[simem:s7], [sflag:s8] =	dma.local @!p0 [hbm:s6], $0xF7A  }
0x23: {  	s9 =	sor.u32 $0xD0000000, s2;
	s6 =	simm.s32 $0x108;
	_ =	swait.ge @!p0 [sflag:s8], $0x0  }
0x24: {  	s3 =	sadd.s32 $0x88, s3;
	s6 =	simm.s32 @!p1 $0x1082;
	[sflag:s4] =	ssyncset.s32 $0xFFFFF086  }
0x25: {  	[simem:s6], [sflag:s4] =	dma.local [hbm:s3], $0xF7A  }
0x26: {  	[smem:$0x3F9F] =	sst s1;
	(tag) =	ssettag s2;
	_ =	strace s9  }
0x27: {  	s1 =	sld [smem:$0x3FAF]  }
0x28: {  	s2 =	sld [smem:$0x3FB0]  }
0x29: {  	s4 =	sld [smem:$0x3FB2]  }
0x2a: {  	p0 =	seq.s32 s5, $0x0;
	s5 =	sld [smem:$0x3FB3]  }
0x2b: {  	s6 =	sld [smem:$0x3FB4]  }
0x2c: {  	s7 =	sld [smem:$0x3FB5]  }
0x2d: {  	s3 =	simm.s32 $0x108;
	s8 =	sld [smem:$0x3FB6]  }
0x2e: {  	s3 =	simm.s32 @!p0 $0x1082;
	s9 =	sld [smem:$0x3FB7]  }
0x2f: {  	lr =	sadd.s32 s0, s3;
	s0 =	sld [smem:$0x3FAE]  }
0x30: {  	s3 =	sld [smem:$0x3FB1]  }
0x31: {  	[smem:$0x3FBA] =	sst s10  }
0x32: {  	s10 =	sld [smem:$0x3FB8];
	_ =	sdelay $0x3  }
0x33: {  	p0 =	seq.s32 s10, $0x1;
	s10 =	sld [smem:$0x3FBA];
	_ =	sdelay $0x3  }
0x34: {  	[smem:$0x3FBA] =	sst s10  }
0x35: {  	s10 =	sld [smem:$0x3FB9];
	_ =	sdelay $0x3  }
0x36: {  	p1 =	seq.s32 s10, $0x1;
	s10 =	sld [smem:$0x3FBA];
	_ =	sdelay $0x3  }
0x37: {  	[smem:$0x3FBA] =	sst s10  }
0x38: {  	s10 =	sld [smem:$0x3FBB]  }
0x39: {  	_ = 	snop;
	(pc) =	sbr.ind lr, $3  }
0x3a: {  	_ = 	snop  }
0x3b: {  	_ = 	snop  }
0x3c: {  	p2 =	seq.s32 s10, $0x1;
	s10 =	sld [smem:$0x3FBA]  }
0x3d: {  	_ =	shalt  }
0x3e: {  	_ =	shalt  }
0x3f: {  	_ =	shalt  }
0x40: {  	_ =	shalt  }
0x41: {  	_ =	shalt  }
0x42: {  	_ =	shalt  }
0x43: {  	_ =	shalt  }
0x44: {  	_ =	shalt  }
0x45: {  	_ =	shalt  }
0x46: {  	_ =	shalt  }
0x47: {  	_ =	shalt  }
0x48: {  	_ =	shalt  }
0x49: {  	_ =	shalt  }
0x4a: {  	_ =	shalt  }
0x4b: {  	_ =	shalt  }
0x4c: {  	_ =	shalt  }
0x4d: {  	_ =	shalt  }
0x4e: {  	_ =	shalt  }
0x4f: {  	_ =	shalt  }
0x50: {  	_ =	shalt  }
0x51: {  	_ =	shalt  }
0x52: {  	_ =	shalt  }
0x53: {  	_ =	shalt  }
0x54: {  	_ =	shalt  }
0x55: {  	_ =	shalt  }
0x56: {  	_ =	shalt  }
0x57: {  	_ =	shalt  }
0x58: {  	_ =	shalt  }
0x59: {  	_ =	shalt  }
0x5a: {  	_ =	shalt  }
0x5b: {  	_ =	shalt  }
0x5c: {  	_ =	shalt  }
0x5d: {  	_ =	shalt  }
0x5e: {  	_ =	shalt  }
0x5f: {  	_ =	shalt  }
0x60: {  	_ =	shalt  }
0x61: {  	_ =	shalt  }
0x62: {  	_ =	shalt  }
0x63: {  	_ =	shalt  }
0x64: {  	_ =	shalt  }
0x65: {  	_ =	shalt  }
0x66: {  	_ =	shalt  }
0x67: {  	_ =	shalt  }
0x68: {  	_ =	shalt  }
0x69: {  	_ =	shalt  }
0x6a: {  	_ =	shalt  }
0x6b: {  	_ =	shalt  }
0x6c: {  	_ =	shalt  }
0x6d: {  	_ =	shalt  }
0x6e: {  	_ =	shalt  }
0x6f: {  	_ =	shalt  }
0x70: {  	_ =	shalt  }
0x71: {  	_ =	shalt  }
0x72: {  	_ =	shalt  }
0x73: {  	_ =	shalt  }
0x74: {  	_ =	shalt  }
0x75: {  	_ =	shalt  }
0x76: {  	_ =	shalt  }
0x77: {  	_ =	shalt  }
0x78: {  	_ =	shalt  }
0x79: {  	_ =	shalt  }
0x7a: {  	_ =	shalt  }
0x7b: {  	_ =	shalt  }
0x7c: {  	_ =	shalt  }
0x7d: {  	_ =	shalt  }
0x7e: {  	_ =	shalt  }
0x7f: {  	_ =	shalt  }
0x80: {  	_ =	shalt  }
0x81: {  	_ =	shalt  }
0x82: {  	_ =	shalt  }
0x83: {  	_ =	shalt  }
0x84: {  	_ =	shalt  }
0x85: {  	_ =	shalt  }
0x86: {  	_ =	shalt  }
0x87: {  	_ =	shalt  }
.Lfunc_end0:
.L_simem_size_0:
called_computation_lowered:
.L_overlay_start_0:
0x88: {  	s2 =	sld [smem:$0x3FD9]  }
0x89: {  	s3 =	sld [smem:$0x3FFE];
	_ =	sdelay $0x1  }
0x8a: {  	s1 =	srdreg.scid  }
0x8b: {  	s0 =	sand.u32 $0x1, s1  }
0x8c: {  	s17 =	sshll.u32 s0, $0xA;
	s2 =	sadd.s32 s3, s2  }
0x8d: {  	s2 =	sadd.s32 s2, s17  }
0x8e: {  	[smem:$0x3FC6] =	sst s2  }
0x8f: {  	_ = 	snop  }
0x90: {  	s2 =	sld [smem:$0x3FC8]  }
0x91: {  	s18 =	sld [smem:$0x3FD0];
	(tm) =	ssettm $0x1  }
0x92: {  	s4 =	sld [smem:$0x3FFB];
	_ =	sdelay $0x3  }
0x93: {  	_ =	strace s4  }
0x94: {  	s4 =	sld [smem:$0x3FFC];
	_ =	sdelay $0x3  }
0x95: {  	_ =	strace s4  }
0x96: {  	s4 =	sld [smem:$0x3FFD];
	_ =	sdelay $0x3  }
0x97: {  	_ =	strace s4  }
0x98: {  	_ =	strace $0x8FFFFFFF  }
0x99: {  	s19 =	sld [smem:$0x3FDB];
	_ =	sdelay $0x1  }
0x9a: {  	s5 =	simm.s32 $_scs_section_size  }
0x9b: {  	s6 =	simm.s32 $_size__tile_overlayer_lowered;
	s7 =	simm.s32 $_tile_overlayer_lowered  }
0x9c: {  	s22 =	simm.s32 $0x1BFF;
	s21 =	sshll.u32 s7, $0x1;
	s4 =	sadd.s32 s5, s19  }
0x9d: {  	s8 =	simm.s32 $0x0;
	s20 =	sshll.u32 s6, $0x1;
	s6 =	sadd.s32 s21, s4  }
0x9e: {  	[timem:s8], [sflag:s22] =	dma.local [hbm:s6], s20  }
0x9f: {  	_ =	swait.ge [sflag:s22], s20  }
0xa0: {  	s5 =	ssub.s32 $0x0, s20;
	[sflag:s22] =	ssyncset.done $0x0  }
0xa1: {  	[sflag:s22] =	ssyncadd.s32 s5;
	_ =	sdelay $0x1  }
0xa2: {  	s23 =	simm.s32 $0x1B8B  }
0xa3: {  	_ =	swait.ge [sflag:s23], $0x1  }
0xa4: {  	[sflag:s23] =	ssyncset.done $0x0  }
0xa5: {  	s25 =	simm.s32 $0x1B8E;
	s24 =	sld [smem:$0x3FFE];
	[sflag:s23] =	ssyncadd.s32 $0xFFFFFFFF  }
0xa6: {  	s26 =	simm.s32 $execute0_lowered;
	[smem:$0x3FD2] =	sst s25  }
0xa7: {  	s6 =	sshll.u32 s26, $0x1;
	_ =	strace $0x80000046;
	[dreg:$0x1] =	wrdreg $0xFFFFFFFF  }
0xa8: {  	s28 =	simm.s32 $_size_execute0_lowered;
	s4 =	sadd.s32 s4, s6;
	[dreg:$0x0] =	wrdreg $0x0  }
0xa9: {  	s6 =	sshll.u32 s28, $0x1;
	[dreg:$0x2] =	wrdreg s4  }
0xaa: {  	[dreg:$0x3] =	wrdreg s6  }
0xab: {  	[dreg:$0x4] =	wrdreg $0xC0  }
0xac: {  	_ =	task [dreg:s8], $0x5FFFF  }
0xad: {  	[dreg:$0x1] =	wrdreg $0xFFFFFFFF  }
0xae: {  	[dreg:$0x0] =	wrdreg $0x60  }
0xaf: {  	[dreg:$0x2] =	wrdreg s24  }
0xb0: {  	[dreg:$0x3] =	wrdreg s2  }
0xb1: {  	[dreg:$0x4] =	wrdreg s18  }
0xb2: {  	[dreg:$0x5] =	wrdreg $0x40000  }
0xb3: {  	[dreg:$0x6] =	wrdreg $0x9  }
0xb4: {  	_ =	task.clear_ibuf [dreg:s8], $0x7FFFF;
	_ =	strace $0x90000046  }
0xb5: {  	s29 =	simm.s32 $0x9;
	_ =	strace $0x80000048  }
0xb6: {  	_ =	swait.ge [sflag:s29], $0x1  }
0xb7: {  	[sflag:s29] =	ssyncadd.s32 $0xFFFFFFFF  }
0xb8: {  	_ =	strace $0x90000048  }
0xb9: {  	_ =	sfence  }
0xba: {  	s30 =	sld [smem:$0x0];
	_ =	sdelay $0x2  }
0xbb: {  	s31 =	sshll.u32 s1, $0xD;
	s1 =	sshrl.u32 s1, $0x2  }
0xbc: {  	s3 =	sand.u32 $0x4000, s31;
	s1 =	sadd.s32 s1, s30  }
0xbd: {  	s0 =	sor.u32 s3, s0;
	s1 =	sshll.u32 s1, $0x11  }
0xbe: {  	s0 =	sor.u32 s1, s0  }
0xbf: {  	s0 =	sadd.s32 $0x8F2B, s0  }
0xc0: {  	[sflag:s0] =	ssyncadd.remote.s32 $0x1  }
0xc1: {  	_ =	sfence.sel $0xFFFF  }
0xc2: {  	[dreg:$0x0] =	wrdreg $0xFFFFFFFF;
	(pc) =	sbr.abs _section_cstart, $3  }
0xc3: {  	[dreg:$0x1] =	wrdreg $0xFFFFFFFF  }
0xc4: {  	_ =	task.clear_ibuf [dreg:s8], $0x2FFFF;
	_ =	strace $0x9FFFFFFF  }
0xc5: {  	(tm) =	ssettm $0x7FFFFFFF  }
tec
execute0_lowered:
.L_overlay_start_1:
0x0: {  	(tag) =	ssettag $0x1  }
0x1: {  	s0 =	rddreg [dreg:$0x0]  }
0x2: {  	s1 =	rddreg [dreg:$0x2]  }
0x3: {  	s2 =	rddreg [dreg:$0x3];
	s3 =	simm.s32 $0x0  }
0x4: {  	s4 =	srdreg.scid;
	s5 =	stileid.u32;
	s14 =	simm.s32 $0x1  }
0x5: {  	s15 =	simm.s32 $0x80;
	s16 =	simm.s32 $0x4028;
	s17 =	simm.s32 $0x48  }
0x6: {  	s31 =	simm.s32 $0x8028;
	s19 =	simm.s32 $0xA428;
	s20 =	simm.s32 $0xE428  }
0x7: {  	s28 =	simm.s32 $0x4;
	[smem:$0x7FF] =	sst s3;
	s4 =	sand.u32 $0x1, s4  }
0x8: {  	s6 =	sshll.u32 s5, $0xF;
	s23 =	smul.u32 $0x320000, s5;
	s7 =	sshll.u32 s4, $0xE  }
0x9: {  	p0 =	sne.s32 s5, $0x0;
	s8 =	ssub.s32 $0x2, s4;
	s6 =	sor.u32 s7, s6  }
0xa: {  	_ =	strace $0x80000047;
	s4 =	smul.u32 $0x190000, s4;
	s0 =	sadd.s32 s6, s0  }
0xb: {  	s21 =	sshrl.u32 s8, $0x1;
	s29 =	sadd.s32 s23, s1;
	s24 =	sadd.s32 $0x400, s0  }
0xc: {  	s23 =	simm.s32 $0x16C28;
	s25 =	sadd.s32 $0x800, s0;
	[dreg:$0x5] =	wrdreg s24  }
0xd: {  	s22 =	ssub.s32 s8, s21;
	s26 =	sadd.s32 $0xC00, s0;
	[dreg:$0x6] =	wrdreg s25  }
0xe: {  	s21 =	simm.s32 $0x10828;
	s0 =	sadd.s32 $0x1000, s0;
	[dreg:$0x7] =	wrdreg s26  }
.Ltmp0:
0xf: {  	s30 =	smax.u32 s22, $0x1;
	[dreg:$0x8] =	wrdreg s0;
	(pc) =	sbr.rel .LBB2_1-.Ltmp0, $4  }
0x10: {  	s22 =	simm.s32 $0x14828;
	[dreg:$0x9] =	wrdreg s30;
	s0 =	sadd.s32 s4, s29  }
0x11: {  	s24 =	simm.s32 $0x1AC28;
	[dreg:$0xa] =	wrdreg s0;
	s0 =	sadd.s32 $0x19000, s0  }
0x12: {  	s25 =	simm.s32 $0x2;
	[dreg:$0xb] =	wrdreg s0;
	s0 =	sshrl.u32 @!p0 s2, $0x3  }
0x13: {  	s26 =	simm.s32 $0x3;
	s4 =	simm.s32 $0x0;
	[dreg:$0xc] =	wrdreg s0  }
.LBB2_8:
0x14: {  	_ =	swait.ge [sflag:s29], $0x6400  }
0x15: {  	[sflag:s29] =	ssyncset.done $0x0  }
0x16: {  	[sflag:s29] =	ssyncadd.s32 $0xFFFF9C00  }
0x17: {  	_ =	swait.ge [sflag:s30], $0x6400  }
0x18: {  	[sflag:s30] =	ssyncset.done $0x0  }
0x19: {  	[sflag:s30] =	ssyncadd.s32 $0xFFFF9C00  }
0x1a: {  	_ =	swait.ge [sflag:s13], $0x6400  }
0x1b: {  	[sflag:s13] =	ssyncset.done $0x0  }
0x1c: {  	[sflag:s13] =	ssyncadd.s32 $0xFFFF9C00  }
0x1d: {  	_ =	swait.ge [sflag:s18], $0x6400  }
0x1e: {  	s4 =	rddreg [dreg:$0xd]  }
0x1f: {  	s0 =	rddreg [dreg:$0x9];
	s4 =	sadd.s32 $0x1, s4  }
0x20: {  	p1 =	sne.s32 s4, s0  }
.Ltmp1:
0x21: {  	_ = 	snop;
	(pc) =	sbr.rel @!p1 .LBB2_9-.Ltmp1, $3  }
0x22: {  	_ =	sdelay $0x1  }
0x23: {  	[sflag:s18] =	ssyncset.done $0x0  }
0x24: {  	[sflag:s18] =	ssyncadd.s32 $0xFFFF9C00  }
.LBB2_1:
0x25: {  	[dreg:$0xd] =	wrdreg s4  }
0x26: {  	s0 =	rddreg [dreg:$0x1]  }
0x27: {  	s4 =	simm.s32 @!p0 $0x1C0B;
	s5 =	rddreg [dreg:$0xc]  }
0x28: {  	[spmem:s5], [sflag:s4] =	dma.local @!p0 [hbm:s0], $0x50  }
0x29: {  	s4 =	simm.s32 @!p0 $0xB  }
0x2a: {  	_ =	swait.ge @!p0 [sflag:s4], $0x50  }
0x2b: {  	[sflag:s4] =	ssyncset.done @!p0 $0x0  }
0x2c: {  	[sflag:s4] =	ssyncadd.s32 @!p0 $0xFFFFFFB0  }
0x2d: {  	[bflag:$0x0] =	sbarrier.arrive $0xFFFF  }
0x2e: {  	s12 =	rddreg [dreg:$0x5]  }
0x2f: {  	s13 =	rddreg [dreg:$0x6]  }
0x30: {  	s30 =	rddreg [dreg:$0xb]  }
0x31: {  	s11 =	rddreg [dreg:$0xa]  }
0x32: {  	[tilespmem:s3], [sflag:$0x9] =	stream.linear.gather [hbm4b:s12+s3], $0x2000, $0x38;
	[tilespmem:$0x1D028] =	vst v63  }
0x33: {  	s18 =	simm.s32 $0x2000;
	s29 =	simm.s32 $0x0;
	[dreg:$0xe] =	wrdreg s30  }
0x34: {  	[tilespmem:s18], [sflag:$0xA] =	stream.linear.gather [hbm4b:s13+s3], $0x2000, $0x38;
	[tilespmem:$0x1D028] =	vst v63  }
.LBB2_2:
0x35: {  	s0 =	simm.s32 $0x9;
	s4 =	simm.s32 $0x0  }
0x36: {  	_ =	swait.ge [sflag:s0], $0x2000;
	s5 =	sor.u32 s29, s4  }
0x37: {  	p1 =	por $0x0, $0x0;
	[sflag:s0] =	ssyncset.done $0x0;
	p2 =	seq.s32 s5, $0x0  }
0x38: {  	s6 =	simm.s32 $0x1;
	[sflag:s0] =	ssyncadd.s32 $0xFFFFE000;
	s5 =	simm.s32 @!p2 $0x5  }
0x39: {  	s6 =	simm.s32 @!p1 $0x0;
	s7 =	sand.u32 $0x1800, s4;
	_ =	swait.ge @!p2 [sflag:s5], $0x6400  }
0x3a: {  	s8 =	sand.u32 $0x200, s4;
	s6 =	sshll.u32 s6, $0x9;
	[sflag:s5] =	ssyncset.done @!p2 $0x0  }
0x3b: {  	s8 =	sor.u32 s8, s7;
	s6 =	sadd.s32 $0x0, s6;
	[sflag:s5] =	ssyncadd.s32 @!p2 $0xFFFF9C00  }
0x3c: {  	[tilespmem:s16], [sflag:$0x1] =	stream.indirect.gather [spmem:s2], $0x80, s8, s15, $0xb8;
	[tilespmem:$0x1D028] =	vst v63  }
0x3d: {  	s10 =	simm.s32 $0x0;
	s6 =	sor.u32 $0x400, s6;
	s8 =	simm.s32 @!p2 $0x6  }
0x3e: {  	[tilespmem:s31], [sflag:$0x1] =	stream.indirect.gather [spmem:s2], $0x80, s6, s17, $0xb8;
	[tilespmem:$0x1D028] =	vst v63  }
0x3f: {  	s12 =	simm.s32 $0x80;
	s5 =	sand.u32 $0x380, s10;
	_ =	swait.ge @!p2 [sflag:s8], $0x6400  }
0x40: {  	s9 =	sadd.s32 $0x80, s5;
	s6 =	sand.u32 $0x280, s12;
	[sflag:s8] =	ssyncset.done @!p2 $0x0  }
0x41: {  	s13 =	sadd.s32 $0x0, s9;
	s6 =	sadd.s32 s6, s7;
	[sflag:s8] =	ssyncadd.s32 @!p2 $0xFFFF9C00  }
0x42: {  	[tilespmem:s19], [sflag:$0x2] =	stream.indirect.gather [spmem:s2], $0x80, s6, s15, $0xb8;
	[tilespmem:$0x1D028] =	vst v63  }
0x43: {  	s4 =	sand.u32 $0x3, s4;
	s8 =	sor.u32 $0x400, s13;
	s6 =	simm.s32 @!p2 $0x7  }
0x44: {  	[tilespmem:s20], [sflag:$0x2] =	stream.indirect.gather [spmem:s2], $0x80, s8, s17, $0xb8;
	[tilespmem:$0x1D028] =	vst v63  }
0x45: {  	s18 =	simm.s32 $0x100;
	s4 =	sshll.u32 s4, $0x8;
	_ =	swait.ge @!p2 [sflag:s6], $0x6400  }
0x46: {  	s4 =	sadd.s32 $0x100, s4;
	s8 =	sand.u32 $0x300, s18;
	[sflag:s6] =	ssyncset.done @!p2 $0x0  }
0x47: {  	s4 =	sadd.s32 $0x0, s4;
	s8 =	sadd.s32 s8, s7;
	[sflag:s6] =	ssyncadd.s32 @!p2 $0xFFFF9C00  }
0x48: {  	[tilespmem:s21], [sflag:$0x3] =	stream.indirect.gather [spmem:s2], $0x80, s8, s15, $0xb8;
	[tilespmem:$0x1D028] =	vst v63  }
0x49: {  	s4 =	sor.u32 $0x400, s4;
	s6 =	simm.s32 @!p2 $0x8  }
0x4a: {  	[tilespmem:s22], [sflag:$0x3] =	stream.indirect.gather [spmem:s2], $0x80, s4, s17, $0xb8;
	[tilespmem:$0x1D028] =	vst v63  }
0x4b: {  	s20 =	simm.s32 $0x180;
	_ =	swait.ge @!p2 [sflag:s6], $0x6400  }
0x4c: {  	s5 =	sadd.s32 $0x180, s5;
	s4 =	sand.u32 $0x380, s20;
	[sflag:s6] =	ssyncset.done @!p2 $0x0  }
0x4d: {  	s5 =	sadd.s32 $0x0, s5;
	s4 =	sadd.s32 s4, s7;
	[sflag:s6] =	ssyncadd.s32 @!p2 $0xFFFF9C00  }
0x4e: {  	[tilespmem:s23], [sflag:$0x4] =	stream.indirect.gather [spmem:s2], $0x80, s4, s15, $0xb8;
	[tilespmem:$0x1D028] =	vst v63  }
0x4f: {  	s22 =	sor.u32 $0x400, s5  }
0x50: {  	[tilespmem:s24], [sflag:$0x4] =	stream.indirect.gather [spmem:s2], $0x80, s22, s17, $0xb8;
	[tilespmem:$0x1D028] =	vst v63  }
0x51: {  	_ =	swait.ge [sflag:s14], $0x4000  }
0x52: {  	[sflag:s14] =	ssyncset.done $0x0  }
0x53: {  	[sflag:s14] =	ssyncadd.s32 $0xFFFFC000  }
0x54: {  	_ =	swait.ge [sflag:s14], $0x2400  }
0x55: {  	[sflag:s14] =	ssyncset.done $0x0  }
0x56: {  	[sflag:s14] =	ssyncadd.s32 $0xFFFFDC00  }
0x57: {  	[hbm4b:s11+s3] =	stream.linear.scatter [tilespmem:s16], [sflag:$0x5], $0x6400, $0x38;
	[tilespmem:$0x1D028] =	vst v63  }
0x58: {  	_ =	swait.ge [sflag:s25], $0x4000  }
0x59: {  	[sflag:s25] =	ssyncset.done $0x0  }
0x5a: {  	p1 =	por !p1, !p1;
	[sflag:s25] =	ssyncadd.s32 $0xFFFFC000  }
0x5b: {  	s9 =	smov.u32 s11;
	s13 =	simm.s32 $0x1;
	_ =	swait.ge [sflag:s25], $0x2400  }
0x5c: {  	s12 =	simm.s32 $0x2;
	s30 =	sor.u32 s29, s13;
	[sflag:s25] =	ssyncset.done $0x0  }
0x5d: {  	s18 =	sadd.s32 $0x1900, s11;
	s24 =	sadd.s32 $0xC80, s11;
	[sflag:s25] =	ssyncadd.s32 $0xFFFFDC00  }
0x5e: {  	[hbm4b:s24+s3] =	stream.linear.scatter [tilespmem:s19], [sflag:$0x6], $0x6400, $0x38;
	[tilespmem:$0x1D028] =	vst v63  }
0x5f: {  	s8 =	simm.s32 $0x400;
	s5 =	sadd.s32 $0x3200, s11;
	_ =	swait.ge [sflag:s26], $0x4000  }
0x60: {  	s7 =	simm.s32 $0x4;
	s4 =	simm.s32 $0x1;
	[sflag:s26] =	ssyncset.done $0x0  }
0x61: {  	s6 =	simm.s32 $0x800;
	s4 =	simm.s32 @!p1 $0x0;
	[sflag:s26] =	ssyncadd.s32 $0xFFFFC000  }
0x62: {  	p2 =	por !p1, !p1;
	s4 =	sshll.u32 s4, $0x9;
	_ =	swait.ge [sflag:s26], $0x2400  }
0x63: {  	p1 =	seq.s32 s30, $0x0;
	s10 =	sadd.s32 $0x400, s4;
	[sflag:s26] =	ssyncset.done $0x0  }
0x64: {  	s4 =	simm.s32 $0x200;
	[dreg:$0xf] =	wrdreg s11;
	[sflag:s26] =	ssyncadd.s32 $0xFFFFDC00  }
.LBB2_3:
0x65: {  	[hbm4b:s18+s3] =	stream.linear.scatter [tilespmem:s21], [sflag:$0x7], $0x6400, $0x38;
	[tilespmem:$0x1D028] =	vst v63  }
0x66: {  	s1 =	smov.u32 s29;
	s29 =	smov.u32 s6;
	s18 =	simm.s32 $0x1  }
0x67: {  	s22 =	simm.s32 @!p1 $0x5;
	s18 =	simm.s32 @!p2 $0x0;
	_ =	swait.ge [sflag:s28], $0x4000  }
0x68: {  	s24 =	sadd.s32 $0x2580, s9;
	s18 =	sshll.u32 s18, $0x9;
	[sflag:s28] =	ssyncset.done $0x0  }
0x69: {  	s6 =	sadd.s32 $0x400, s6;
	s20 =	sadd.s32 s18, s29;
	[sflag:s28] =	ssyncadd.s32 $0xFFFFC000  }
0x6a: {  	s9 =	sand.u32 $0x200, s4;
	s18 =	sand.u32 $0x1800, s8;
	_ =	swait.ge [sflag:s28], $0x2400  }
0x6b: {  	p3 =	sne.s32 s6, $0x2000;
	s11 =	sor.u32 s9, s18;
	[sflag:s28] =	ssyncset.done $0x0  }
0x6c: {  	s9 =	smov.u32 s5;
	[sflag:s28] =	ssyncadd.s32 $0xFFFFDC00  }
0x6d: {  	[hbm4b:s24+s3] =	stream.linear.scatter [tilespmem:s23], [sflag:$0x8], $0x6400, $0x38;
	[tilespmem:$0x1D028] =	vst v63  }
0x6e: {  	_ = 	snop  }
0x6f: {  	s10 =	sor.u32 $0x400, s10;
	s24 =	sshll.u32 s7, $0x7;
	_ =	swait.ge @!p1 [sflag:s22], $0x6400  }
0x70: {  	s30 =	simm.s32 @!p1 $0x6;
	s0 =	sadd.s32 $0x100, s4;
	[sflag:s22] =	ssyncset.done @!p1 $0x0  }
0x71: {  	s24 =	sand.u32 $0x380, s24;
	[sflag:s22] =	ssyncadd.s32 @!p1 $0xFFFF9C00;
	s22 =	sadd.s32 $0x80, s4  }
0x72: {  	[tilespmem:s16], [sflag:$0x1] =	stream.indirect.gather [spmem:s2], $0x80, s11, s15, $0xb8;
	[tilespmem:$0x1D028] =	vst v63  }
0x73: {  	s0 =	sand.u32 $0x300, s0;
	s11 =	sadd.s32 $0x180, s24;
	s24 =	sadd.s32 $0x80, s24  }
0x74: {  	s0 =	sadd.s32 s0, s18;
	s22 =	sand.u32 $0x280, s22;
	s24 =	sadd.s32 s24, s8  }
0x75: {  	[tilespmem:s31], [sflag:$0x1] =	stream.indirect.gather [spmem:s2], $0x80, s10, s17, $0xb8;
	[tilespmem:$0x1D028] =	vst v63  }
0x76: {  	s10 =	sadd.s32 s22, s18;
	s22 =	simm.s32 @!p1 $0x7;
	_ =	swait.ge @!p1 [sflag:s30], $0x6400  }
0x77: {  	s11 =	sadd.s32 s11, s8;
	s31 =	sand.u32 $0x3, s12;
	[sflag:s30] =	ssyncset.done @!p1 $0x0  }
0x78: {  	s24 =	sor.u32 $0x400, s24;
	s31 =	sshll.u32 s31, $0x8;
	[sflag:s30] =	ssyncadd.s32 @!p1 $0xFFFF9C00  }
0x79: {  	[tilespmem:s19], [sflag:$0x2] =	stream.indirect.gather [spmem:s2], $0x80, s10, s15, $0xb8;
	[tilespmem:$0x1D028] =	vst v63  }
0x7a: {  	s30 =	simm.s32 $0xE428;
	s10 =	sadd.s32 $0x100, s31;
	s31 =	simm.s32 $0x8028  }
0x7b: {  	[tilespmem:s30], [sflag:$0x2] =	stream.indirect.gather [spmem:s2], $0x80, s24, s17, $0xb8;
	[tilespmem:$0x1D028] =	vst v63  }
0x7c: {  	s24 =	sadd.s32 s10, s8;
	s30 =	simm.s32 @!p1 $0x8;
	_ =	swait.ge @!p1 [sflag:s22], $0x6400  }
0x7d: {  	s10 =	smov.u32 s20;
	s8 =	smov.u32 s29;
	[sflag:s22] =	ssyncset.done @!p1 $0x0  }
0x7e: {  	s29 =	smov.u32 s1;
	[sflag:s22] =	ssyncadd.s32 @!p1 $0xFFFF9C00;
	s22 =	simm.s32 $0x14828  }
0x7f: {  	[tilespmem:s21], [sflag:$0x3] =	stream.indirect.gather [spmem:s2], $0x80, s0, s15, $0xb8;
	[tilespmem:$0x1D028] =	vst v63  }
0x80: {  	s20 =	sadd.s32 $0x180, s4;
	s0 =	sor.u32 $0x400, s24;
	s24 =	simm.s32 $0x1AC28  }
0x81: {  	[tilespmem:s22], [sflag:$0x3] =	stream.indirect.gather [spmem:s2], $0x80, s0, s17, $0xb8;
	[tilespmem:$0x1D028] =	vst v63  }
0x82: {  	s0 =	sand.u32 $0x380, s20;
	_ =	swait.ge @!p1 [sflag:s30], $0x6400  }
0x83: {  	s0 =	sadd.s32 s0, s18;
	[sflag:s30] =	ssyncset.done @!p1 $0x0  }
0x84: {  	[sflag:s30] =	ssyncadd.s32 @!p1 $0xFFFF9C00  }
0x85: {  	[tilespmem:s23], [sflag:$0x4] =	stream.indirect.gather [spmem:s2], $0x80, s0, s15, $0xb8;
	[tilespmem:$0x1D028] =	vst v63  }
0x86: {  	s0 =	sor.u32 $0x400, s11  }
0x87: {  	[tilespmem:s24], [sflag:$0x4] =	stream.indirect.gather [spmem:s2], $0x80, s0, s17, $0xb8;
	[tilespmem:$0x1D028] =	vst v63  }
0x88: {  	_ =	swait.ge [sflag:s14], $0x4000  }
0x89: {  	[sflag:s14] =	ssyncset.done $0x0  }
0x8a: {  	[sflag:s14] =	ssyncadd.s32 $0xFFFFC000  }
0x8b: {  	_ =	swait.ge [sflag:s14], $0x2400  }
0x8c: {  	[sflag:s14] =	ssyncset.done $0x0  }
0x8d: {  	[sflag:s14] =	ssyncadd.s32 $0xFFFFDC00  }
0x8e: {  	[hbm4b:s5+s3] =	stream.linear.scatter [tilespmem:s16], [sflag:$0x5], $0x6400, $0x38;
	[tilespmem:$0x1D028] =	vst v63  }
0x8f: {  	_ =	swait.ge [sflag:s25], $0x4000  }
0x90: {  	[sflag:s25] =	ssyncset.done $0x0  }
0x91: {  	[sflag:s25] =	ssyncadd.s32 $0xFFFFC000  }
0x92: {  	_ =	swait.ge [sflag:s25], $0x2400  }
0x93: {  	[sflag:s25] =	ssyncset.done $0x0  }
0x94: {  	s0 =	sadd.s32 $0xC80, s5;
	[sflag:s25] =	ssyncadd.s32 $0xFFFFDC00  }
0x95: {  	[hbm4b:s0+s3] =	stream.linear.scatter [tilespmem:s19], [sflag:$0x6], $0x6400, $0x38;
	[tilespmem:$0x1D028] =	vst v63  }
0x96: {  	_ =	swait.ge [sflag:s26], $0x4000  }
.Ltmp2:
0x97: {  	s5 =	sadd.s32 $0x3200, s5;
	[sflag:s26] =	ssyncset.done $0x0;
	(pc) =	sbr.rel @p3 .LBB2_3-.Ltmp2, $4  }
0x98: {  	s7 =	sadd.s32 $0x4, s7;
	s12 =	sadd.s32 $0x2, s12;
	[sflag:s26] =	ssyncadd.s32 $0xFFFFC000  }
0x99: {  	s13 =	sadd.s32 $0x1, s13;
	s4 =	sadd.s32 $0x200, s4;
	_ =	swait.ge [sflag:s26], $0x2400  }
0x9a: {  	p2 =	por !p2, !p2;
	s0 =	sor.u32 s1, s13;
	[sflag:s26] =	ssyncset.done $0x0  }
0x9b: {  	s18 =	sadd.s32 $0x1900, s9;
	p1 =	seq.s32 s0, $0x0;
	[sflag:s26] =	ssyncadd.s32 $0xFFFFDC00  }
0x9c: {  	[hbm4b:s18+s3] =	stream.linear.scatter [tilespmem:s21], [sflag:$0x7], $0x6400, $0x38;
	[tilespmem:$0x1D028] =	vst v63  }
0x9d: {  	_ =	swait.ge [sflag:s28], $0x4000  }
0x9e: {  	[sflag:s28] =	ssyncset.done $0x0  }
0x9f: {  	[sflag:s28] =	ssyncadd.s32 $0xFFFFC000  }
0xa0: {  	_ =	swait.ge [sflag:s28], $0x2400  }
0xa1: {  	[sflag:s28] =	ssyncset.done $0x0  }
0xa2: {  	s0 =	simm.s32 @!p1 $0x5;
	s6 =	sadd.s32 $0x2580, s9;
	[sflag:s28] =	ssyncadd.s32 $0xFFFFDC00  }
0xa3: {  	[hbm4b:s6+s3] =	stream.linear.scatter [tilespmem:s23], [sflag:$0x8], $0x6400, $0x38;
	[tilespmem:$0x1D028] =	vst v63  }
0xa4: {  	_ =	swait.ge @!p1 [sflag:s0], $0x6400  }
0xa5: {  	s18 =	sand.u32 $0x200, s4;
	s6 =	sand.u32 $0x1800, s8;
	[sflag:s0] =	ssyncset.done @!p1 $0x0  }
0xa6: {  	s9 =	sor.u32 s18, s6;
	[sflag:s0] =	ssyncadd.s32 @!p1 $0xFFFF9C00  }
0xa7: {  	[tilespmem:s16], [sflag:$0x1] =	stream.indirect.gather [spmem:s2], $0x80, s9, s15, $0xb8;
	[tilespmem:$0x1D028] =	vst v63  }
0xa8: {  	s20 =	sshll.u32 s7, $0x7;
	s10 =	sor.u32 $0x400, s10;
	s9 =	simm.s32 @!p1 $0x6  }
0xa9: {  	[tilespmem:s31], [sflag:$0x1] =	stream.indirect.gather [spmem:s2], $0x80, s10, s17, $0xb8;
	[tilespmem:$0x1D028] =	vst v63  }
0xaa: {  	s11 =	sadd.s32 $0x80, s4;
	s0 =	sand.u32 $0x380, s20;
	_ =	swait.ge @!p1 [sflag:s9], $0x6400  }
0xab: {  	s7 =	sand.u32 $0x280, s11;
	s13 =	sadd.s32 $0x80, s0;
	[sflag:s9] =	ssyncset.done @!p1 $0x0  }
0xac: {  	s7 =	sadd.s32 s7, s6;
	s18 =	sadd.s32 s13, s8;
	[sflag:s9] =	ssyncadd.s32 @!p1 $0xFFFF9C00  }
0xad: {  	[tilespmem:s19], [sflag:$0x2] =	stream.indirect.gather [spmem:s2], $0x80, s7, s15, $0xb8;
	[tilespmem:$0x1D028] =	vst v63  }
0xae: {  	s10 =	simm.s32 $0xE428;
	s9 =	sor.u32 $0x400, s18;
	s7 =	simm.s32 @!p1 $0x7  }
0xaf: {  	[tilespmem:s10], [sflag:$0x2] =	stream.indirect.gather [spmem:s2], $0x80, s9, s17, $0xb8;
	[tilespmem:$0x1D028] =	vst v63  }
0xb0: {  	s20 =	sadd.s32 $0x100, s4;
	_ =	swait.ge @!p1 [sflag:s7], $0x6400  }
0xb1: {  	s13 =	sand.u32 $0x3, s12;
	s9 =	sand.u32 $0x300, s20;
	[sflag:s7] =	ssyncset.done @!p1 $0x0  }
0xb2: {  	s11 =	sadd.s32 s9, s6;
	[sflag:s7] =	ssyncadd.s32 @!p1 $0xFFFF9C00;
	s7 =	sshll.u32 s13, $0x8  }
0xb3: {  	[tilespmem:s21], [sflag:$0x3] =	stream.indirect.gather [spmem:s2], $0x80, s11, s15, $0xb8;
	[tilespmem:$0x1D028] =	vst v63  }
0xb4: {  	s7 =	sadd.s32 $0x100, s7  }
0xb5: {  	s7 =	sadd.s32 s7, s8  }
0xb6: {  	s7 =	sor.u32 $0x400, s7  }
0xb7: {  	[tilespmem:s22], [sflag:$0x3] =	stream.indirect.gather [spmem:s2], $0x80, s7, s17, $0xb8;
	[tilespmem:$0x1D028] =	vst v63  }
0xb8: {  	s7 =	simm.s32 @!p1 $0x8  }
0xb9: {  	s18 =	sadd.s32 $0x180, s4;
	_ =	swait.ge @!p1 [sflag:s7], $0x6400  }
0xba: {  	s0 =	sadd.s32 $0x180, s0;
	s4 =	sand.u32 $0x380, s18;
	[sflag:s7] =	ssyncset.done @!p1 $0x0  }
0xbb: {  	s0 =	sadd.s32 s0, s8;
	s4 =	sadd.s32 s4, s6;
	[sflag:s7] =	ssyncadd.s32 @!p1 $0xFFFF9C00  }
0xbc: {  	[tilespmem:s23], [sflag:$0x4] =	stream.indirect.gather [spmem:s2], $0x80, s4, s15, $0xb8;
	[tilespmem:$0x1D028] =	vst v63  }
0xbd: {  	s0 =	sor.u32 $0x400, s0  }
0xbe: {  	[tilespmem:s24], [sflag:$0x4] =	stream.indirect.gather [spmem:s2], $0x80, s0, s17, $0xb8;
	[tilespmem:$0x1D028] =	vst v63  }
0xbf: {  	_ =	swait.ge [sflag:s14], $0x4000  }
0xc0: {  	[sflag:s14] =	ssyncset.done $0x0  }
0xc1: {  	[sflag:s14] =	ssyncadd.s32 $0xFFFFC000  }
0xc2: {  	_ =	swait.ge [sflag:s14], $0x2400  }
0xc3: {  	[sflag:s14] =	ssyncset.done $0x0  }
0xc4: {  	[sflag:s14] =	ssyncadd.s32 $0xFFFFDC00  }
0xc5: {  	[hbm4b:s5+s3] =	stream.linear.scatter [tilespmem:s16], [sflag:$0x5], $0x6400, $0x38;
	[tilespmem:$0x1D028] =	vst v63  }
0xc6: {  	_ =	swait.ge [sflag:s25], $0x4000  }
0xc7: {  	[sflag:s25] =	ssyncset.done $0x0  }
0xc8: {  	[sflag:s25] =	ssyncadd.s32 $0xFFFFC000  }
0xc9: {  	_ =	swait.ge [sflag:s25], $0x2400  }
0xca: {  	[sflag:s25] =	ssyncset.done $0x0  }
0xcb: {  	s20 =	sadd.s32 $0xC80, s5;
	[sflag:s25] =	ssyncadd.s32 $0xFFFFDC00  }
0xcc: {  	[hbm4b:s20+s3] =	stream.linear.scatter [tilespmem:s19], [sflag:$0x6], $0x6400, $0x38;
	[tilespmem:$0x1D028] =	vst v63  }
0xcd: {  	_ =	swait.ge [sflag:s26], $0x4000  }
0xce: {  	[sflag:s26] =	ssyncset.done $0x0  }
0xcf: {  	[sflag:s26] =	ssyncadd.s32 $0xFFFFC000  }
0xd0: {  	_ =	swait.ge [sflag:s26], $0x2400  }
0xd1: {  	[sflag:s26] =	ssyncset.done $0x0  }
0xd2: {  	s4 =	sadd.s32 $0x1900, s5;
	[sflag:s26] =	ssyncadd.s32 $0xFFFFDC00  }
0xd3: {  	[hbm4b:s4+s3] =	stream.linear.scatter [tilespmem:s21], [sflag:$0x7], $0x6400, $0x38;
	[tilespmem:$0x1D028] =	vst v63  }
0xd4: {  	_ =	swait.ge [sflag:s28], $0x4000  }
0xd5: {  	[sflag:s28] =	ssyncset.done $0x0  }
0xd6: {  	[sflag:s28] =	ssyncadd.s32 $0xFFFFC000  }
0xd7: {  	p1 =	seq.s32 s29, $0x7;
	_ =	swait.ge [sflag:s28], $0x2400  }
0xd8: {  	p2 =	por $0x0, $0x0;
	s0 =	sshll.u32 @!p1 s29, $0xB;
	[sflag:s28] =	ssyncset.done $0x0  }
0xd9: {  	s5 =	sadd.s32 $0x2580, s5;
	s4 =	rddreg [dreg:$0x7];
	[sflag:s28] =	ssyncadd.s32 $0xFFFFDC00  }
0xda: {  	[hbm4b:s5+s3] =	stream.linear.scatter [tilespmem:s23], [sflag:$0x8], $0x6400, $0x38;
	[tilespmem:$0x1D028] =	vst v63  }
0xdb: {  	s6 =	simm.s32 $0xA;
	s0 =	sadd.s32 @!p1 s0, s4;
	s4 =	simm.s32 @!p1 $0x0  }
0xdc: {  	[tilespmem:s4], [sflag:$0x9] =	stream.linear.gather @!p1 [hbm4b:s0+s4], $0x2000, $0x38;
	[tilespmem:$0x1D028] =	vst v63  }
0xdd: {  	s29 =	simm.s32 $0x5;
	s5 =	simm.s32 $0x0;
	_ =	swait.ge [sflag:s6], $0x2000  }
0xde: {  	s7 =	sand.u32 $0x1800, s5;
	s0 =	simm.s32 $0x1;
	[sflag:s6] =	ssyncset.done $0x0  }
0xdf: {  	s8 =	sand.u32 $0x200, s5;
	s0 =	simm.s32 @!p2 $0x0;
	[sflag:s6] =	ssyncadd.s32 $0xFFFFE000  }
0xe0: {  	s9 =	sand.u32 $0x7, s5;
	s0 =	sshll.u32 s0, $0x9;
	_ =	swait.ge [sflag:s29], $0x6400  }
0xe1: {  	s4 =	sor.u32 $0x2000, s7;
	s0 =	sadd.s32 $0x0, s0;
	[sflag:s29] =	ssyncset.done $0x0  }
0xe2: {  	s6 =	sor.u32 s8, s4;
	s0 =	sor.u32 $0x400, s0;
	[sflag:s29] =	ssyncadd.s32 $0xFFFF9C00  }
0xe3: {  	[tilespmem:s16], [sflag:$0x1] =	stream.indirect.gather [spmem:s2], $0x80, s6, s15, $0xb8;
	[tilespmem:$0x1D028] =	vst v63  }
0xe4: {  	s30 =	simm.s32 $0x6;
	s11 =	sshll.u32 s9, $0x7;
	s0 =	sadd.s32 $0x2000, s0  }
0xe5: {  	[tilespmem:s31], [sflag:$0x1] =	stream.indirect.gather [spmem:s2], $0x80, s0, s17, $0xb8;
	[tilespmem:$0x1D028] =	vst v63  }
0xe6: {  	s12 =	simm.s32 $0x80;
	s0 =	sadd.s32 $0x0, s11;
	_ =	swait.ge [sflag:s30], $0x6400  }
0xe7: {  	s13 =	sand.u32 $0x280, s12;
	s18 =	sadd.s32 $0x80, s0;
	[sflag:s30] =	ssyncset.done $0x0  }
0xe8: {  	s6 =	sor.u32 s13, s4;
	s7 =	sor.u32 $0x400, s18;
	[sflag:s30] =	ssyncadd.s32 $0xFFFF9C00  }
0xe9: {  	[tilespmem:s19], [sflag:$0x2] =	stream.indirect.gather [spmem:s2], $0x80, s6, s15, $0xb8;
	[tilespmem:$0x1D028] =	vst v63  }
0xea: {  	s20 =	sand.u32 $0x3, s5;
	s7 =	sadd.s32 $0x2000, s7  }
0xeb: {  	[tilespmem:s10], [sflag:$0x2] =	stream.indirect.gather [spmem:s2], $0x80, s7, s17, $0xb8;
	[tilespmem:$0x1D028] =	vst v63  }
0xec: {  	s8 =	sshll.u32 s20, $0x8;
	s10 =	simm.s32 $0x7  }
0xed: {  	s9 =	simm.s32 $0x100;
	s6 =	sadd.s32 $0x0, s8;
	_ =	swait.ge [sflag:s10], $0x6400  }
0xee: {  	s6 =	sadd.s32 $0x100, s6;
	s7 =	sand.u32 $0x300, s9;
	[sflag:s10] =	ssyncset.done $0x0  }
0xef: {  	s6 =	sor.u32 $0x400, s6;
	s7 =	sor.u32 s7, s4;
	[sflag:s10] =	ssyncadd.s32 $0xFFFF9C00  }
0xf0: {  	[tilespmem:s21], [sflag:$0x3] =	stream.indirect.gather [spmem:s2], $0x80, s7, s15, $0xb8;
	[tilespmem:$0x1D028] =	vst v63  }
0xf1: {  	s12 =	simm.s32 $0x8;
	s6 =	sadd.s32 $0x2000, s6  }
0xf2: {  	[tilespmem:s22], [sflag:$0x3] =	stream.indirect.gather [spmem:s2], $0x80, s6, s17, $0xb8;
	[tilespmem:$0x1D028] =	vst v63  }
0xf3: {  	s11 =	simm.s32 $0x180;
	_ =	swait.ge [sflag:s12], $0x6400  }
0xf4: {  	s0 =	sadd.s32 $0x180, s0;
	s6 =	sand.u32 $0x380, s11;
	[sflag:s12] =	ssyncset.done $0x0  }
0xf5: {  	s0 =	sor.u32 $0x400, s0;
	s4 =	sor.u32 s6, s4;
	[sflag:s12] =	ssyncadd.s32 $0xFFFF9C00  }
0xf6: {  	[tilespmem:s23], [sflag:$0x4] =	stream.indirect.gather [spmem:s2], $0x80, s4, s15, $0xb8;
	[tilespmem:$0x1D028] =	vst v63  }
0xf7: {  	s0 =	sadd.s32 $0x2000, s0  }
0xf8: {  	[tilespmem:s24], [sflag:$0x4] =	stream.indirect.gather [spmem:s2], $0x80, s0, s17, $0xb8;
	[tilespmem:$0x1D028] =	vst v63  }
0xf9: {  	_ =	swait.ge [sflag:s14], $0x4000  }
0xfa: {  	[sflag:s14] =	ssyncset.done $0x0  }
0xfb: {  	[sflag:s14] =	ssyncadd.s32 $0xFFFFC000  }
0xfc: {  	_ =	swait.ge [sflag:s14], $0x2400  }
0xfd: {  	[sflag:s14] =	ssyncset.done $0x0  }
0xfe: {  	s13 =	rddreg [dreg:$0xe];
	[sflag:s14] =	ssyncadd.s32 $0xFFFFDC00  }
0xff: {  	[hbm4b:s13+s3] =	stream.linear.scatter [tilespmem:s16], [sflag:$0x5], $0x6400, $0x38;
	[tilespmem:$0x1D028] =	vst v63  }
0x100: {  	_ =	swait.ge [sflag:s25], $0x4000  }
0x101: {  	[sflag:s25] =	ssyncset.done $0x0  }
0x102: {  	[sflag:s25] =	ssyncadd.s32 $0xFFFFC000  }
0x103: {  	_ =	swait.ge [sflag:s25], $0x2400  }
0x104: {  	[sflag:s25] =	ssyncset.done $0x0  }
0x105: {  	s18 =	sadd.s32 $0xC80, s13;
	[sflag:s25] =	ssyncadd.s32 $0xFFFFDC00  }
0x106: {  	[hbm4b:s18+s3] =	stream.linear.scatter [tilespmem:s19], [sflag:$0x6], $0x6400, $0x38;
	[tilespmem:$0x1D028] =	vst v63  }
0x107: {  	_ =	swait.ge [sflag:s26], $0x4000  }
0x108: {  	[sflag:s26] =	ssyncset.done $0x0  }
0x109: {  	[sflag:s26] =	ssyncadd.s32 $0xFFFFC000  }
0x10a: {  	p2 =	por !p2, !p2;
	s8 =	simm.s32 $0x4;
	_ =	swait.ge [sflag:s26], $0x2400  }
0x10b: {  	s7 =	simm.s32 $0x2;
	s4 =	simm.s32 $0x400;
	[sflag:s26] =	ssyncset.done $0x0  }
0x10c: {  	s20 =	sadd.s32 $0x1900, s13;
	s12 =	sadd.s32 $0x2580, s13;
	[sflag:s26] =	ssyncadd.s32 $0xFFFFDC00  }
0x10d: {  	[hbm4b:s20+s3] =	stream.linear.scatter [tilespmem:s21], [sflag:$0x7], $0x6400, $0x38;
	[tilespmem:$0x1D028] =	vst v63  }
0x10e: {  	s6 =	sadd.s32 $0x3200, s13;
	s20 =	simm.s32 $0xE428;
	_ =	swait.ge [sflag:s28], $0x4000  }
.LBB2_5:
0x10f: {  	s0 =	simm.s32 $0x1;
	[sflag:s28] =	ssyncset.done $0x0;
	s5 =	sadd.s32 $0x200, s5  }
0x110: {  	s11 =	smov.u32 s4;
	s9 =	smov.u32 s6;
	s0 =	simm.s32 @!p2 $0x0  }
0x111: {  	s10 =	sand.u32 $0x1800, s4;
	s0 =	sshll.u32 s0, $0x9;
	[sflag:s28] =	ssyncadd.s32 $0xFFFFC000  }
0x112: {  	s13 =	sand.u32 $0x200, s5;
	s10 =	sor.u32 $0x2000, s10;
	_ =	swait.ge [sflag:s28], $0x2400  }
0x113: {  	p3 =	sne.s32 s4, $0x1C00;
	s4 =	sadd.s32 $0x400, s4;
	[sflag:s28] =	ssyncset.done $0x0  }
0x114: {  	s13 =	sor.u32 s13, s10;
	s0 =	sadd.s32 s0, s11;
	[sflag:s28] =	ssyncadd.s32 $0xFFFFDC00  }
0x115: {  	[hbm4b:s12+s3] =	stream.linear.scatter [tilespmem:s23], [sflag:$0x8], $0x6400, $0x38;
	[tilespmem:$0x1D028] =	vst v63  }
0x116: {  	_ =	swait.ge [sflag:s29], $0x6400  }
0x117: {  	s0 =	sor.u32 $0x400, s0;
	[sflag:s29] =	ssyncset.done $0x0  }
0x118: {  	s0 =	sadd.s32 $0x2000, s0;
	s12 =	sand.u32 $0x7, s8;
	[sflag:s29] =	ssyncadd.s32 $0xFFFF9C00  }
0x119: {  	[tilespmem:s16], [sflag:$0x1] =	stream.indirect.gather [spmem:s2], $0x80, s13, s15, $0xb8;
	[tilespmem:$0x1D028] =	vst v63  }
0x11a: {  	s18 =	sand.u32 $0x3, s7;
	s12 =	sshll.u32 s12, $0x7;
	s13 =	sadd.s32 $0x80, s5  }
0x11b: {  	[tilespmem:s31], [sflag:$0x1] =	stream.indirect.gather [spmem:s2], $0x80, s0, s17, $0xb8;
	[tilespmem:$0x1D028] =	vst v63  }
0x11c: {  	s0 =	sadd.s32 s11, s12;
	s12 =	sand.u32 $0x280, s13;
	_ =	swait.ge [sflag:s30], $0x6400  }
0x11d: {  	s12 =	sor.u32 s12, s10;
	s13 =	sadd.s32 $0x80, s0;
	[sflag:s30] =	ssyncset.done $0x0  }
0x11e: {  	s0 =	sadd.s32 $0x180, s0;
	s13 =	sor.u32 $0x400, s13;
	[sflag:s30] =	ssyncadd.s32 $0xFFFF9C00  }
0x11f: {  	[tilespmem:s19], [sflag:$0x2] =	stream.indirect.gather [spmem:s2], $0x80, s12, s15, $0xb8;
	[tilespmem:$0x1D028] =	vst v63  }
0x120: {  	s13 =	sadd.s32 $0x2000, s13;
	s12 =	sshll.u32 s18, $0x8;
	s18 =	simm.s32 $0x8  }
0x121: {  	s0 =	sor.u32 $0x400, s0;
	s11 =	sadd.s32 s11, s12;
	s12 =	sadd.s32 $0x100, s5  }
0x122: {  	[tilespmem:s20], [sflag:$0x2] =	stream.indirect.gather [spmem:s2], $0x80, s13, s17, $0xb8;
	[tilespmem:$0x1D028] =	vst v63  }
0x123: {  	s13 =	simm.s32 $0x7  }
0x124: {  	s12 =	sand.u32 $0x300, s12;
	s11 =	sadd.s32 $0x100, s11;
	_ =	swait.ge [sflag:s13], $0x6400  }
0x125: {  	s12 =	sor.u32 s12, s10;
	s11 =	sor.u32 $0x400, s11;
	[sflag:s13] =	ssyncset.done $0x0  }
0x126: {  	s11 =	sadd.s32 $0x2000, s11;
	[sflag:s13] =	ssyncadd.s32 $0xFFFF9C00  }
0x127: {  	[tilespmem:s21], [sflag:$0x3] =	stream.indirect.gather [spmem:s2], $0x80, s12, s15, $0xb8;
	[tilespmem:$0x1D028] =	vst v63  }
0x128: {  	s12 =	sadd.s32 $0x180, s5  }
0x129: {  	[tilespmem:s22], [sflag:$0x3] =	stream.indirect.gather [spmem:s2], $0x80, s11, s17, $0xb8;
	[tilespmem:$0x1D028] =	vst v63  }
0x12a: {  	s11 =	sand.u32 $0x380, s12;
	_ =	swait.ge [sflag:s18], $0x6400  }
0x12b: {  	s10 =	sor.u32 s11, s10;
	[sflag:s18] =	ssyncset.done $0x0  }
0x12c: {  	s0 =	sadd.s32 $0x2000, s0;
	[sflag:s18] =	ssyncadd.s32 $0xFFFF9C00  }
0x12d: {  	[tilespmem:s23], [sflag:$0x4] =	stream.indirect.gather [spmem:s2], $0x80, s10, s15, $0xb8;
	[tilespmem:$0x1D028] =	vst v63  }
0x12e: {  	_ = 	snop  }
0x12f: {  	[tilespmem:s24], [sflag:$0x4] =	stream.indirect.gather [spmem:s2], $0x80, s0, s17, $0xb8;
	[tilespmem:$0x1D028] =	vst v63  }
0x130: {  	_ =	swait.ge [sflag:s14], $0x4000  }
0x131: {  	[sflag:s14] =	ssyncset.done $0x0  }
0x132: {  	[sflag:s14] =	ssyncadd.s32 $0xFFFFC000  }
0x133: {  	_ =	swait.ge [sflag:s14], $0x2400  }
0x134: {  	[sflag:s14] =	ssyncset.done $0x0  }
0x135: {  	[sflag:s14] =	ssyncadd.s32 $0xFFFFDC00  }
0x136: {  	[hbm4b:s6+s3] =	stream.linear.scatter [tilespmem:s16], [sflag:$0x5], $0x6400, $0x38;
	[tilespmem:$0x1D028] =	vst v63  }
0x137: {  	_ =	swait.ge [sflag:s25], $0x4000  }
0x138: {  	[sflag:s25] =	ssyncset.done $0x0  }
0x139: {  	[sflag:s25] =	ssyncadd.s32 $0xFFFFC000  }
0x13a: {  	_ =	swait.ge [sflag:s25], $0x2400  }
0x13b: {  	[sflag:s25] =	ssyncset.done $0x0  }
0x13c: {  	s0 =	sadd.s32 $0xC80, s6;
	[sflag:s25] =	ssyncadd.s32 $0xFFFFDC00  }
0x13d: {  	[hbm4b:s0+s3] =	stream.linear.scatter [tilespmem:s19], [sflag:$0x6], $0x6400, $0x38;
	[tilespmem:$0x1D028] =	vst v63  }
0x13e: {  	_ =	swait.ge [sflag:s26], $0x4000  }
0x13f: {  	[sflag:s26] =	ssyncset.done $0x0  }
0x140: {  	[sflag:s26] =	ssyncadd.s32 $0xFFFFC000  }
.Ltmp3:
0x141: {  	_ =	swait.ge [sflag:s26], $0x2400;
	(pc) =	sbr.rel @p3 .LBB2_5-.Ltmp3, $4  }
0x142: {  	s12 =	sadd.s32 $0x2580, s9;
	s6 =	sadd.s32 $0x3200, s6;
	[sflag:s26] =	ssyncset.done $0x0  }
0x143: {  	s7 =	sadd.s32 $0x2, s7;
	s0 =	sadd.s32 $0x1900, s9;
	[sflag:s26] =	ssyncadd.s32 $0xFFFFDC00  }
0x144: {  	[hbm4b:s0+s3] =	stream.linear.scatter [tilespmem:s21], [sflag:$0x7], $0x6400, $0x38;
	[tilespmem:$0x1D028] =	vst v63  }
0x145: {  	p2 =	por !p2, !p2;
	s8 =	sadd.s32 $0x4, s8;
	_ =	swait.ge [sflag:s28], $0x4000  }
0x146: {  	[sflag:s28] =	ssyncset.done $0x0  }
.Ltmp4:
0x147: {  	[sflag:s28] =	ssyncadd.s32 $0xFFFFC000;
	(pc) =	sbr.rel @p1 .LBB2_8-.Ltmp4, $4  }
0x148: {  	_ =	swait.ge [sflag:s28], $0x2400  }
0x149: {  	[sflag:s28] =	ssyncset.done $0x0  }
0x14a: {  	[sflag:s28] =	ssyncadd.s32 $0xFFFFDC00  }
0x14b: {  	[hbm4b:s12+s3] =	stream.linear.scatter [tilespmem:s23], [sflag:$0x8], $0x6400, $0x38;
	[tilespmem:$0x1D028] =	vst v63  }
.Ltmp5:
0x14c: {  	s0 =	sshll.u32 s1, $0xB;
	s4 =	rddreg [dreg:$0x8];
	(pc) =	sbr.rel .LBB2_2-.Ltmp5, $4  }
0x14d: {  	s18 =	simm.s32 $0x2000;
	s30 =	rddreg [dreg:$0xe];
	s0 =	sadd.s32 s0, s4  }
0x14e: {  	[tilespmem:s18], [sflag:$0xA] =	stream.linear.gather [hbm4b:s0+s3], $0x2000, $0x38;
	[tilespmem:$0x1D028] =	vst v63  }
0x14f: {  	s11 =	rddreg [dreg:$0xf];
	s0 =	sadd.s32 $0x32000, s30  }
0x150: {  	s29 =	sadd.s32 $0x1, s1;
	s11 =	sadd.s32 $0x32000, s11;
	[dreg:$0xe] =	wrdreg s0  }
.LBB2_9:
0x151: {  	_ =	sfence.sel $0x180000  }
0x152: {  	[bflag:$0x0] =	sbarrier.arrive $0xFFFF  }
0x153: {  	_ =	strace $0x90000047  }
0x154: {  	[bflag:$0x2] =	sbarrier.arrive $0xFFFF  }
0x155: {  	s0 =	rddreg [dreg:$0x4]  }
0x156: {  	s0 =	sadd.s32 @!p0 $0x100000, s0  }
0x157: {  	[sflag:s0] =	ssyncadd.tile.s32 @!p0 $0x1;
	_ =	shalt  }
.Lfunc_end2:
_tile_overlayer_lowered:
.L_overlay_start_2:
0x158: {  	(tag) =	ssettag $0x2  }
0x159: {  	s0 =	rddreg [dreg:$0x0];
	s2 =	stileid.u32  }
0x15a: {  	s1 =	rddreg [dreg:$0x1];
	p0 =	sne.s32 s2, $0x0  }
0x15b: {  	s3 =	rddreg [dreg:$0x2];
	[bflag:$0x3] =	sbarrier.arrive $0xFFFF;
	s2 =	simm.s32 @!p0 $0x1C0B  }
0x15c: {  	[timem:s3], [sflag:s2] =	dma.local @!p0 [hbm:s0], s1  }
0x15d: {  	s0 =	simm.s32 @!p0 $0xB  }
0x15e: {  	_ =	swait.ge @!p0 [sflag:s0], s1  }
0x15f: {  	s1 =	ssub.s32 @!p0 $0x0, s1;
	[sflag:s0] =	ssyncset.done @!p0 $0x0  }
0x160: {  	[sflag:s0] =	ssyncadd.s32 @!p0 s1  }
0x161: {  	[bflag:$0x3] =	sbarrier.arrive $0xFFFF  }
0x162: {  	_ =	shalt  }

</sc_bundles>
